<compile_context>
chip_gen: v7x
topology: tpu7x:2x2x1
jax: 0.10.2.dev20260603
libtpu: 0.0.44.dev20260713+nightly
codegen_flags: <defaults>
</compile_context>

<pallas_src>
import jax
import jax.numpy as jnp
from jax import lax
from jax.experimental import pallas as pl
from jax.experimental.pallas import tpu as pltpu
from jax.experimental.pallas import tpu_sc as plsc

N = 2000
E_EDGES = 32000
H1, F1 = 8, 16
D_HID = H1 * F1
DB = 1000


def _layer1_pre_body(x_ref, w1_ref, h_ref):
    h_ref[...] = jnp.dot(x_ref[...], w1_ref[...],
                         preferred_element_type=jnp.float32)


def _head_proj(att_ref):
    att = att_ref[...]
    tiled = jnp.concatenate([att] * H1, axis=1)
    row = lax.broadcasted_iota(jnp.int32, (H1, D_HID), 0)
    col = lax.broadcasted_iota(jnp.int32, (H1, D_HID), 1)
    return jnp.where(col // F1 == row, tiled, 0.0)




def _attn1_body(c_ref, h_ref, hblk_ref, asrc_ref, adst_ref, b1_ref, out_ref):
    c = c_ref[...]
    h1 = h_ref[...]
    asr = lax.dot_general(_head_proj(asrc_ref), h1, (((1,), (1,)), ((), ())),
                          preferred_element_type=jnp.float32)
    adc = lax.dot_general(hblk_ref[...], _head_proj(adst_ref),
                          (((1,), (1,)), ((), ())),
                          preferred_element_type=jnp.float32)
    haug = jnp.concatenate(
        [h1, jnp.ones((N, 1), jnp.float32)], axis=1).astype(jnp.bfloat16)
    for hh in range(H1):
        a_s = asr[hh : hh + 1, :]
        a_d = adc[:, hh : hh + 1]
        ag = jnp.max(a_s, axis=1, keepdims=True)
        t = a_d + ag
        bnd = jnp.where(t >= 0.0, t, 0.2 * t)
        u = jnp.exp(a_d - bnd)
        up = jnp.exp(0.2 * a_d - bnd)
        v = jnp.exp(a_s)
        vp = jnp.exp(0.2 * a_s)
        p = (c * jnp.maximum(u * v, up * vp)).astype(jnp.bfloat16)
        o_aug = jnp.dot(
            p, jnp.concatenate(
                [haug[:, hh * F1 : (hh + 1) * F1], haug[:, D_HID:]], axis=1),
            preferred_element_type=jnp.float32)
        o = (o_aug[:, :F1] / (o_aug[:, F1 : F1 + 1] + 1e-16)
             + b1_ref[:, hh * F1 : (hh + 1) * F1])
        out_ref[:, hh * F1 : (hh + 1) * F1] = jnp.where(
            o > 0.0, o, jnp.exp(jnp.minimum(o, 0.0)) - 1.0)


def _attn2_body(c_ref, h1a_ref, hblk_ref, w2_ref, att2_ref, b2_ref, out_ref):
    c = c_ref[...]
    h1a = h1a_ref[...]
    w2att = lax.dot_general(w2_ref[...], att2_ref[...],
                            (((1,), (1,)), ((), ())),
                            preferred_element_type=jnp.float32)
    a_s = lax.dot_general(w2att[:, 0:1], h1a, (((0,), (1,)), ((), ())),
                          preferred_element_type=jnp.float32)
    a_d = jnp.dot(hblk_ref[...], w2att[:, 1:2],
                  preferred_element_type=jnp.float32)
    ag = jnp.max(a_s, axis=1, keepdims=True)
    t = a_d + ag
    bnd = jnp.where(t >= 0.0, t, 0.2 * t)
    u = jnp.exp(a_d - bnd)
    up = jnp.exp(0.2 * a_d - bnd)
    v = jnp.exp(a_s)
    vp = jnp.exp(0.2 * a_s)
    p = (c * jnp.maximum(u * v, up * vp)).astype(jnp.bfloat16)
    haug = jnp.concatenate(
        [h1a, jnp.ones((N, 1), jnp.float32)], axis=1).astype(jnp.bfloat16)
    a_aug = jnp.dot(p, haug, preferred_element_type=jnp.float32)
    a = a_aug[:, :D_HID] / (a_aug[:, D_HID : D_HID + 1] + 1e-16)
    z = jnp.dot(a, w2_ref[...], preferred_element_type=jnp.float32) + b2_ref[...]
    zm = z - jnp.max(z, axis=1, keepdims=True)
    out_ref[...] = zm - jnp.log(jnp.sum(jnp.exp(zm), axis=1, keepdims=True))



_SC_NC, _SC_NS = 2, 16
_ROWS = 64
_NPAD = _SC_NC * _SC_NS * _ROWS
_CHUNK = 320
_N_CHUNKS = E_EDGES // _CHUNK
_NBUF = 4


def _counts_sc_body(ed_hbm, c_hbm, b0, b1, b2, b3, s0, s1, s2, s3, acc):
    bufs = (b0, b1, b2, b3)
    sems = (s0, s1, s2, s3)
    wid = lax.axis_index("c") * _SC_NS + lax.axis_index("s")
    base = wid * _ROWS
    zeros16 = jnp.zeros((16,), jnp.float32)
    ones16 = jnp.ones((16,), jnp.float32)
    lanes = lax.iota(jnp.int32, 16)

    for b in range(_NBUF):
        pltpu.async_copy(
            ed_hbm.at[pl.ds(b * 2 * _CHUNK, 2 * _CHUNK)], bufs[b], sems[b])

    def zbody(i, carry):
        for k in range(8):
            acc[pl.ds((i * 8 + k) * 16, 16)] = zeros16
        return carry
    lax.fori_loop(0, _ROWS * N // (16 * 8), zbody, 0)

    for g in range(4):
        ln = lanes + g * 16
        col = base + ln
        plsc.addupdate_scatter(acc, [ln * N + col], ones16, mask=col < N)

    n_groups = _N_CHUNKS // _NBUF

    def group(g, carry):
        for b in range(_NBUF):
            buf = bufs[b]
            pltpu.make_async_copy(
                ed_hbm.at[pl.ds(0, 2 * _CHUNK)], buf, sems[b]).wait()

            def vbody(i, inner):
                sv = buf[pl.ds(i * 16, 16)]
                dv = buf[pl.ds(_CHUNK + i * 16, 16)]
                loc = dv - base
                m = (loc >= 0) & (loc < _ROWS)
                plsc.addupdate_scatter(acc, [loc * N + sv], ones16, mask=m)
                return inner
            lax.fori_loop(0, _CHUNK // 16, vbody, 0)

            @pl.when(g < n_groups - 1)
            def _():
                pltpu.async_copy(
                    ed_hbm.at[pl.ds((g * _NBUF + b + _NBUF) * 2 * _CHUNK,
                                    2 * _CHUNK)], buf, sems[b])
        return carry
    lax.fori_loop(0, n_groups, group, 0)

    pltpu.sync_copy(acc, c_hbm.at[pl.ds(base * N, _ROWS * N)])


def _build_counts(edge_index):
    ed = jnp.concatenate(
        [edge_index[0].reshape(_N_CHUNKS, _CHUNK),
         edge_index[1].reshape(_N_CHUNKS, _CHUNK)], axis=1).reshape(-1)
    c_flat = pl.kernel(
        _counts_sc_body,
        out_type=jax.ShapeDtypeStruct((_NPAD * N,), jnp.float32),
        mesh=plsc.VectorSubcoreMesh(
            core_axis_name="c", subcore_axis_name="s",
            num_cores=_SC_NC, num_subcores=_SC_NS),
        compiler_params=pltpu.CompilerParams(needs_layout_passes=False),
        scratch_types=(
            [pltpu.VMEM((2 * _CHUNK,), jnp.int32)] * _NBUF
            + [pltpu.SemaphoreType.DMA] * _NBUF
            + [pltpu.VMEM((_ROWS * N,), jnp.float32)]
        ),
    )(ed)
    return c_flat.reshape(_NPAD, N)


def kernel(x, edge_index, W1, att_src1, att_dst1, b1, W2, att_src2, att_dst2, b2):
    f32 = jnp.float32

    c = _build_counts(edge_index)
    att2 = jnp.concatenate([att_src2, att_dst2], axis=0)
    grid1 = (N // DB,)

    h1 = pl.pallas_call(
        _layer1_pre_body,
        grid=grid1,
        in_specs=[
            pl.BlockSpec((DB, N), lambda i: (i, 0)),
            pl.BlockSpec((N, D_HID), lambda i: (0, 0)),
        ],
        out_specs=pl.BlockSpec((DB, D_HID), lambda i: (i, 0)),
        out_shape=jax.ShapeDtypeStruct((N, D_HID), f32),
    )(x, W1)

    h1a = pl.pallas_call(
        _attn1_body,
        grid=grid1,
        in_specs=[
            pl.BlockSpec((DB, N), lambda i: (i, 0)),
            pl.BlockSpec((N, D_HID), lambda i: (0, 0)),
            pl.BlockSpec((DB, D_HID), lambda i: (i, 0)),
            pl.BlockSpec((H1, F1), lambda i: (0, 0)),
            pl.BlockSpec((H1, F1), lambda i: (0, 0)),
            pl.BlockSpec((1, D_HID), lambda i: (0, 0)),
        ],
        out_specs=pl.BlockSpec((DB, D_HID), lambda i: (i, 0)),
        out_shape=jax.ShapeDtypeStruct((N, D_HID), f32),
    )(c, h1, h1, att_src1, att_dst1, b1.reshape(1, D_HID))

    out = pl.pallas_call(
        _attn2_body,
        grid=grid1,
        in_specs=[
            pl.BlockSpec((DB, N), lambda i: (i, 0)),
            pl.BlockSpec((N, D_HID), lambda i: (0, 0)),
            pl.BlockSpec((DB, D_HID), lambda i: (i, 0)),
            pl.BlockSpec((D_HID, N), lambda i: (0, 0)),
            pl.BlockSpec((2, N), lambda i: (0, 0)),
            pl.BlockSpec((1, N), lambda i: (0, 0)),
        ],
        out_specs=pl.BlockSpec((DB, N), lambda i: (i, 0)),
        out_shape=jax.ShapeDtypeStruct((N, N), f32),
    )(c, h1a, h1a, W2, att2, b2.reshape(1, N))
    return out

# --- scband reference (transcript-rebuilt; emitter-appended) ---
"""Pipeline reference for scband-gat-30485677867440 (READ-ONLY COPY).

The authoritative reference and input builder live on the scoring server;
editing this copy changes nothing except your own understanding.
"""

import jax, jax.numpy as jnp
import numpy as np

N_NODES = 2000
N_EDGES = 32000
H1, F1 = 8, 16
D_HID = H1 * F1
OUT = N_NODES


def setup_inputs(seed: int = 0) -> dict:
    key = jax.random.key(seed)
    ks = jax.random.split(key, 12)
    x = jax.random.normal(ks[0], (N_NODES, N_NODES), dtype=jnp.float32)
    edge_index = jax.random.randint(ks[1], (2, N_EDGES), 0, N_NODES, dtype=jnp.int32)
    W1 = jax.random.normal(ks[2], (N_NODES, D_HID), dtype=jnp.float32) / np.sqrt(N_NODES)
    att_src1 = jax.random.normal(ks[3], (H1, F1), dtype=jnp.float32) / np.sqrt(F1)
    att_dst1 = jax.random.normal(ks[4], (H1, F1), dtype=jnp.float32) / np.sqrt(F1)
    b1 = jnp.zeros((D_HID,), dtype=jnp.float32)
    W2 = jax.random.normal(ks[5], (D_HID, OUT), dtype=jnp.float32) / np.sqrt(D_HID)
    att_src2 = jax.random.normal(ks[6], (1, OUT), dtype=jnp.float32) / np.sqrt(OUT)
    att_dst2 = jax.random.normal(ks[7], (1, OUT), dtype=jnp.float32) / np.sqrt(OUT)
    b2 = jnp.zeros((OUT,), dtype=jnp.float32)
    return {"x": x, "edge_index": edge_index, "W1": W1, "att_src1": att_src1, "att_dst1": att_dst1, "b1": b1, "W2": W2, "att_src2": att_src2, "att_dst2": att_dst2, "b2": b2}


def _gat_layer(x, edge_index, W, att_src, att_dst, bias, heads, out_dim, concat):
    n = x.shape[0]
    h = (x @ W).reshape(n, heads, out_dim)
    loop = jnp.arange(n, dtype=edge_index.dtype)
    src = jnp.concatenate([edge_index[0], loop])
    dst = jnp.concatenate([edge_index[1], loop])
    a_src = jnp.sum(h * att_src[None, :, :], axis=-1)  # [n, heads]
    a_dst = jnp.sum(h * att_dst[None, :, :], axis=-1)  # [n, heads]
    e = a_src[src] + a_dst[dst]                        # [E', heads]
    e = jax.nn.leaky_relu(e, negative_slope=0.2)
    e_max = jax.ops.segment_max(e, dst, num_segments=n)
    e_max = jnp.where(jnp.isneginf(e_max), 0.0, e_max)
    e_exp = jnp.exp(e - e_max[dst])
    denom = jax.ops.segment_sum(e_exp, dst, num_segments=n)
    alpha = e_exp / (denom[dst] + 1e-16)               # softmax over incoming edges
    msg = h[src] * alpha[:, :, None]                   # [E', heads, out_dim]
    out = jax.ops.segment_sum(msg, dst, num_segments=n)
    if concat:
        out = out.reshape(n, heads * out_dim)
    else:
        out = out.mean(axis=1)
    return out + bias


def reference(x, edge_index, W1, att_src1, att_dst1, b1, W2, att_src2, att_dst2, b2):
    h = _gat_layer(x, edge_index, W1, att_src1, att_dst1, b1, H1, F1, True)
    h = jax.nn.elu(h)
    h = _gat_layer(h, edge_index, W2, att_src2, att_dst2, b2, 1, OUT, False)
    return jax.nn.log_softmax(h, axis=1)

if __name__ == "__main__":
    import jax
    _d = setup_inputs()
    print(jax.jit(kernel)(*tuple(_d.values())))

</pallas_src>

<mosaic_0001>
#map = affine_map<(d0, d1) -> (0)>
module attributes {stable_mosaic.version = 14 : i64} {
  func.func @_counts_sc_body(%arg0: i32, %arg1: i32, %arg2: memref<64000xi32, #tpu.memory_space<hbm>>, %arg3: memref<4096000xf32, #tpu.memory_space<hbm>>, %arg4: memref<640xi32, #tpu.memory_space<vmem>>, %arg5: memref<640xi32, #tpu.memory_space<vmem>>, %arg6: memref<640xi32, #tpu.memory_space<vmem>>, %arg7: memref<640xi32, #tpu.memory_space<vmem>>, %arg8: memref<!tpu.dma_semaphore, #tpu.memory_space<semaphore_mem>>, %arg9: memref<!tpu.dma_semaphore, #tpu.memory_space<semaphore_mem>>, %arg10: memref<!tpu.dma_semaphore, #tpu.memory_space<semaphore_mem>>, %arg11: memref<!tpu.dma_semaphore, #tpu.memory_space<semaphore_mem>>, %arg12: memref<128000xf32, #tpu.memory_space<vmem>>) attributes {dimension_semantics = [#tpu.dimension_semantics<core_parallel>, #tpu.dimension_semantics<subcore_parallel>], iteration_bounds = array<i64: 2, 16>, scalar_prefetch = 0 : i64, scratch_operands = 9 : i64, tpu.core_type = #tpu.core_type<sc_vector_subcore>, window_params = [{transform_indices = #map}, {transform_indices = #map}]} {
    %mul3A = arith.constant 16 : i32
    %mul3A_0 = arith.muli %arg0, %mul3A : i32
    %add3A = arith.addi %mul3A_0, %arg1 : i32
    %mul3A_1 = arith.constant 64 : i32
    %mul3A_2 = arith.muli %add3A, %mul3A_1 : i32
    %broadcast_in_dim3A = arith.constant 0.000000e+00 : f32
    %broadcast_in_dim3A_3 = vector.broadcast %broadcast_in_dim3A : f32 to vector<16xf32>
    %broadcast_in_dim3A_4 = arith.constant 1.000000e+00 : f32
    %broadcast_in_dim3A_5 = vector.broadcast %broadcast_in_dim3A_4 : f32 to vector<16xf32>
    %iota3A = tpu.iota {dimensions = array<i32: 0>} : vector<16xi32>
    %dma_start3A = arith.constant 0 : i32
    %dma_start3A_6 = tpu.memref_slice %arg2[%dma_start3A] : memref<64000xi32, #tpu.memory_space<hbm>> -> memref<640xi32, #tpu.memory_space<hbm>>
    %dma_start3A_7 = arith.constant 0 : i32
    %dma_start3A_8 = tpu.memref_slice %arg2[%dma_start3A_7] : memref<64000xi32, #tpu.memory_space<hbm>> -> memref<640xi32, #tpu.memory_space<hbm>>
    tpu.enqueue_dma source(%dma_start3A_8 : memref<640xi32, #tpu.memory_space<hbm>>) target(%arg4 : memref<640xi32, #tpu.memory_space<vmem>>) target_semaphore(%arg8 : memref<!tpu.dma_semaphore, #tpu.memory_space<semaphore_mem>>)
    %dma_start3A_9 = arith.constant 640 : i32
    %dma_start3A_10 = tpu.memref_slice %arg2[%dma_start3A_9] : memref<64000xi32, #tpu.memory_space<hbm>> -> memref<640xi32, #tpu.memory_space<hbm>>
    %dma_start3A_11 = arith.constant 640 : i32
    %dma_start3A_12 = tpu.memref_slice %arg2[%dma_start3A_11] : memref<64000xi32, #tpu.memory_space<hbm>> -> memref<640xi32, #tpu.memory_space<hbm>>
    tpu.enqueue_dma source(%dma_start3A_12 : memref<640xi32, #tpu.memory_space<hbm>>) target(%arg5 : memref<640xi32, #tpu.memory_space<vmem>>) target_semaphore(%arg9 : memref<!tpu.dma_semaphore, #tpu.memory_space<semaphore_mem>>)
    %dma_start3A_13 = arith.constant 1280 : i32
    %dma_start3A_14 = tpu.memref_slice %arg2[%dma_start3A_13] : memref<64000xi32, #tpu.memory_space<hbm>> -> memref<640xi32, #tpu.memory_space<hbm>>
    %dma_start3A_15 = arith.constant 1280 : i32
    %dma_start3A_16 = tpu.memref_slice %arg2[%dma_start3A_15] : memref<64000xi32, #tpu.memory_space<hbm>> -> memref<640xi32, #tpu.memory_space<hbm>>
    tpu.enqueue_dma source(%dma_start3A_16 : memref<640xi32, #tpu.memory_space<hbm>>) target(%arg6 : memref<640xi32, #tpu.memory_space<vmem>>) target_semaphore(%arg10 : memref<!tpu.dma_semaphore, #tpu.memory_space<semaphore_mem>>)
    %dma_start3A_17 = arith.constant 1920 : i32
    %dma_start3A_18 = tpu.memref_slice %arg2[%dma_start3A_17] : memref<64000xi32, #tpu.memory_space<hbm>> -> memref<640xi32, #tpu.memory_space<hbm>>
    %dma_start3A_19 = arith.constant 1920 : i32
    %dma_start3A_20 = tpu.memref_slice %arg2[%dma_start3A_19] : memref<64000xi32, #tpu.memory_space<hbm>> -> memref<640xi32, #tpu.memory_space<hbm>>
    tpu.enqueue_dma source(%dma_start3A_20 : memref<640xi32, #tpu.memory_space<hbm>>) target(%arg7 : memref<640xi32, #tpu.memory_space<vmem>>) target_semaphore(%arg11 : memref<!tpu.dma_semaphore, #tpu.memory_space<semaphore_mem>>)
    %scan3A = arith.constant 0 : i32
    %scan3A_21 = arith.constant 0 : i32
    %scan3A_22 = arith.constant 1000 : i32
    %scan3A_23 = arith.addi %scan3A_21, %scan3A_22 : i32
    %scan3A_24 = arith.constant 1 : i32
    scf.for %scan3A_81 = %scan3A_21 to %scan3A_23 step %scan3A_24  : i32 {
      %mul3A_82 = arith.constant 8 : i32
      %mul3A_83 = arith.muli %scan3A_81, %mul3A_82 : i32
      %add3A_84 = arith.constant 0 : i32
      %add3A_85 = arith.addi %mul3A_83, %add3A_84 : i32
      %mul3A_86 = arith.constant 16 : i32
      %mul3A_87 = arith.muli %add3A_85, %mul3A_86 : i32
      %swap3A = arith.index_cast %mul3A_87 : i32 to index
      %swap3A_88 = tpu.vector_load %arg12[%swap3A] {strides = array<i32>} : memref<128000xf32, #tpu.memory_space<vmem>>, vector<16xf32>,
      tpu.vector_store %arg12[%swap3A], %broadcast_in_dim3A_3 {strides = array<i32>} : memref<128000xf32, #tpu.memory_space<vmem>>, vector<16xf32>,
      %mul3A_89 = arith.constant 8 : i32
      %mul3A_90 = arith.muli %scan3A_81, %mul3A_89 : i32
      %add3A_91 = arith.constant 1 : i32
      %add3A_92 = arith.addi %mul3A_90, %add3A_91 : i32
      %mul3A_93 = arith.constant 16 : i32
      %mul3A_94 = arith.muli %add3A_92, %mul3A_93 : i32
      %swap3A_95 = arith.index_cast %mul3A_94 : i32 to index
      %swap3A_96 = tpu.vector_load %arg12[%swap3A_95] {strides = array<i32>} : memref<128000xf32, #tpu.memory_space<vmem>>, vector<16xf32>,
      tpu.vector_store %arg12[%swap3A_95], %broadcast_in_dim3A_3 {strides = array<i32>} : memref<128000xf32, #tpu.memory_space<vmem>>, vector<16xf32>,
      %mul3A_97 = arith.constant 8 : i32
      %mul3A_98 = arith.muli %scan3A_81, %mul3A_97 : i32
      %add3A_99 = arith.constant 2 : i32
      %add3A_100 = arith.addi %mul3A_98, %add3A_99 : i32
      %mul3A_101 = arith.constant 16 : i32
      %mul3A_102 = arith.muli %add3A_100, %mul3A_101 : i32
      %swap3A_103 = arith.index_cast %mul3A_102 : i32 to index
      %swap3A_104 = tpu.vector_load %arg12[%swap3A_103] {strides = array<i32>} : memref<128000xf32, #tpu.memory_space<vmem>>, vector<16xf32>,
      tpu.vector_store %arg12[%swap3A_103], %broadcast_in_dim3A_3 {strides = array<i32>} : memref<128000xf32, #tpu.memory_space<vmem>>, vector<16xf32>,
      %mul3A_105 = arith.constant 8 : i32
      %mul3A_106 = arith.muli %scan3A_81, %mul3A_105 : i32
      %add3A_107 = arith.constant 3 : i32
      %add3A_108 = arith.addi %mul3A_106, %add3A_107 : i32
      %mul3A_109 = arith.constant 16 : i32
      %mul3A_110 = arith.muli %add3A_108, %mul3A_109 : i32
      %swap3A_111 = arith.index_cast %mul3A_110 : i32 to index
      %swap3A_112 = tpu.vector_load %arg12[%swap3A_111] {strides = array<i32>} : memref<128000xf32, #tpu.memory_space<vmem>>, vector<16xf32>,
      tpu.vector_store %arg12[%swap3A_111], %broadcast_in_dim3A_3 {strides = array<i32>} : memref<128000xf32, #tpu.memory_space<vmem>>, vector<16xf32>,
      %mul3A_113 = arith.constant 8 : i32
      %mul3A_114 = arith.muli %scan3A_81, %mul3A_113 : i32
      %add3A_115 = arith.constant 4 : i32
      %add3A_116 = arith.addi %mul3A_114, %add3A_115 : i32
      %mul3A_117 = arith.constant 16 : i32
      %mul3A_118 = arith.muli %add3A_116, %mul3A_117 : i32
      %swap3A_119 = arith.index_cast %mul3A_118 : i32 to index
      %swap3A_120 = tpu.vector_load %arg12[%swap3A_119] {strides = array<i32>} : memref<128000xf32, #tpu.memory_space<vmem>>, vector<16xf32>,
      tpu.vector_store %arg12[%swap3A_119], %broadcast_in_dim3A_3 {strides = array<i32>} : memref<128000xf32, #tpu.memory_space<vmem>>, vector<16xf32>,
      %mul3A_121 = arith.constant 8 : i32
      %mul3A_122 = arith.muli %scan3A_81, %mul3A_121 : i32
      %add3A_123 = arith.constant 5 : i32
      %add3A_124 = arith.addi %mul3A_122, %add3A_123 : i32
      %mul3A_125 = arith.constant 16 : i32
      %mul3A_126 = arith.muli %add3A_124, %mul3A_125 : i32
      %swap3A_127 = arith.index_cast %mul3A_126 : i32 to index
      %swap3A_128 = tpu.vector_load %arg12[%swap3A_127] {strides = array<i32>} : memref<128000xf32, #tpu.memory_space<vmem>>, vector<16xf32>,
      tpu.vector_store %arg12[%swap3A_127], %broadcast_in_dim3A_3 {strides = array<i32>} : memref<128000xf32, #tpu.memory_space<vmem>>, vector<16xf32>,
      %mul3A_129 = arith.constant 8 : i32
      %mul3A_130 = arith.muli %scan3A_81, %mul3A_129 : i32
      %add3A_131 = arith.constant 6 : i32
      %add3A_132 = arith.addi %mul3A_130, %add3A_131 : i32
      %mul3A_133 = arith.constant 16 : i32
      %mul3A_134 = arith.muli %add3A_132, %mul3A_133 : i32
      %swap3A_135 = arith.index_cast %mul3A_134 : i32 to index
      %swap3A_136 = tpu.vector_load %arg12[%swap3A_135] {strides = array<i32>} : memref<128000xf32, #tpu.memory_space<vmem>>, vector<16xf32>,
      tpu.vector_store %arg12[%swap3A_135], %broadcast_in_dim3A_3 {strides = array<i32>} : memref<128000xf32, #tpu.memory_space<vmem>>, vector<16xf32>,
      %mul3A_137 = arith.constant 8 : i32
      %mul3A_138 = arith.muli %scan3A_81, %mul3A_137 : i32
      %add3A_139 = arith.constant 7 : i32
      %add3A_140 = arith.addi %mul3A_138, %add3A_139 : i32
      %mul3A_141 = arith.constant 16 : i32
      %mul3A_142 = arith.muli %add3A_140, %mul3A_141 : i32
      %swap3A_143 = arith.index_cast %mul3A_142 : i32 to index
      %swap3A_144 = tpu.vector_load %arg12[%swap3A_143] {strides = array<i32>} : memref<128000xf32, #tpu.memory_space<vmem>>, vector<16xf32>,
      tpu.vector_store %arg12[%swap3A_143], %broadcast_in_dim3A_3 {strides = array<i32>} : memref<128000xf32, #tpu.memory_space<vmem>>, vector<16xf32>,
    }
    %scan3A_25 = arith.constant 1000 : i32
    %add3A_26 = arith.constant 0 : i32
    %add3A_27 = vector.broadcast %add3A_26 : i32 to vector<16xi32>
    %add3A_28 = arith.addi %iota3A, %add3A_27 : vector<16xi32>
    %add3A_29 = vector.broadcast %mul3A_2 : i32 to vector<16xi32>
    %add3A_30 = arith.addi %add3A_29, %add3A_28 : vector<16xi32>
    %mul3A_31 = arith.constant 2000 : i32
    %mul3A_32 = vector.broadcast %mul3A_31 : i32 to vector<16xi32>
    %mul3A_33 = arith.muli %add3A_28, %mul3A_32 : vector<16xi32>
    %add3A_34 = arith.addi %mul3A_33, %add3A_30 : vector<16xi32>
    %lt3A = arith.constant 2000 : i32
    %lt3A_35 = vector.broadcast %lt3A : i32 to vector<16xi32>
    %lt3A_36 = arith.cmpi slt, %add3A_30, %lt3A_35 : vector<16xi32>
    tpu.vector_store_idx %arg12[%add3A_34], %broadcast_in_dim3A_5 masked %lt3A_36 {add = true} : memref<128000xf32, #tpu.memory_space<vmem>>[vector<16xi32>], vector<16xf32>, vector<16xi1>
    %add3A_37 = arith.constant 16 : i32
    %add3A_38 = vector.broadcast %add3A_37 : i32 to vector<16xi32>
    %add3A_39 = arith.addi %iota3A, %add3A_38 : vector<16xi32>
    %add3A_40 = vector.broadcast %mul3A_2 : i32 to vector<16xi32>
    %add3A_41 = arith.addi %add3A_40, %add3A_39 : vector<16xi32>
    %mul3A_42 = arith.constant 2000 : i32
    %mul3A_43 = vector.broadcast %mul3A_42 : i32 to vector<16xi32>
    %mul3A_44 = arith.muli %add3A_39, %mul3A_43 : vector<16xi32>
    %add3A_45 = arith.addi %mul3A_44, %add3A_41 : vector<16xi32>
    %lt3A_46 = arith.constant 2000 : i32
    %lt3A_47 = vector.broadcast %lt3A_46 : i32 to vector<16xi32>
    %lt3A_48 = arith.cmpi slt, %add3A_41, %lt3A_47 : vector<16xi32>
    tpu.vector_store_idx %arg12[%add3A_45], %broadcast_in_dim3A_5 masked %lt3A_48 {add = true} : memref<128000xf32, #tpu.memory_space<vmem>>[vector<16xi32>], vector<16xf32>, vector<16xi1>
    %add3A_49 = arith.constant 32 : i32
    %add3A_50 = vector.broadcast %add3A_49 : i32 to vector<16xi32>
    %add3A_51 = arith.addi %iota3A, %add3A_50 : vector<16xi32>
    %add3A_52 = vector.broadcast %mul3A_2 : i32 to vector<16xi32>
    %add3A_53 = arith.addi %add3A_52, %add3A_51 : vector<16xi32>
    %mul3A_54 = arith.constant 2000 : i32
    %mul3A_55 = vector.broadcast %mul3A_54 : i32 to vector<16xi32>
    %mul3A_56 = arith.muli %add3A_51, %mul3A_55 : vector<16xi32>
    %add3A_57 = arith.addi %mul3A_56, %add3A_53 : vector<16xi32>
    %lt3A_58 = arith.constant 2000 : i32
    %lt3A_59 = vector.broadcast %lt3A_58 : i32 to vector<16xi32>
    %lt3A_60 = arith.cmpi slt, %add3A_53, %lt3A_59 : vector<16xi32>
    tpu.vector_store_idx %arg12[%add3A_57], %broadcast_in_dim3A_5 masked %lt3A_60 {add = true} : memref<128000xf32, #tpu.memory_space<vmem>>[vector<16xi32>], vector<16xf32>, vector<16xi1>
    %add3A_61 = arith.constant 48 : i32
    %add3A_62 = vector.broadcast %add3A_61 : i32 to vector<16xi32>
    %add3A_63 = arith.addi %iota3A, %add3A_62 : vector<16xi32>
    %add3A_64 = vector.broadcast %mul3A_2 : i32 to vector<16xi32>
    %add3A_65 = arith.addi %add3A_64, %add3A_63 : vector<16xi32>
    %mul3A_66 = arith.constant 2000 : i32
    %mul3A_67 = vector.broadcast %mul3A_66 : i32 to vector<16xi32>
    %mul3A_68 = arith.muli %add3A_63, %mul3A_67 : vector<16xi32>
    %add3A_69 = arith.addi %mul3A_68, %add3A_65 : vector<16xi32>
    %lt3A_70 = arith.constant 2000 : i32
    %lt3A_71 = vector.broadcast %lt3A_70 : i32 to vector<16xi32>
    %lt3A_72 = arith.cmpi slt, %add3A_65, %lt3A_71 : vector<16xi32>
    tpu.vector_store_idx %arg12[%add3A_69], %broadcast_in_dim3A_5 masked %lt3A_72 {add = true} : memref<128000xf32, #tpu.memory_space<vmem>>[vector<16xi32>], vector<16xf32>, vector<16xi1>
    %scan3A_73 = arith.constant 0 : i32
    %scan3A_74 = arith.constant 0 : i32
    %scan3A_75 = arith.constant 25 : i32
    %scan3A_76 = arith.addi %scan3A_74, %scan3A_75 : i32
    %scan3A_77 = arith.constant 1 : i32
    scf.for %scan3A_81 = %scan3A_74 to %scan3A_76 step %scan3A_77  : i32 {
      %dma_wait3A = arith.constant 0 : i32
      %dma_wait3A_82 = tpu.memref_slice %arg2[%dma_wait3A] : memref<64000xi32, #tpu.memory_space<hbm>> -> memref<640xi32, #tpu.memory_space<hbm>>
      %dma_wait3A_83 = arith.constant 0 : i32
      %dma_wait3A_84 = tpu.memref_slice %arg2[%dma_wait3A_83] : memref<64000xi32, #tpu.memory_space<hbm>> -> memref<640xi32, #tpu.memory_space<hbm>>
      tpu.wait_dma2 semaphore(%arg8 : memref<!tpu.dma_semaphore, #tpu.memory_space<semaphore_mem>>) src(%dma_wait3A_84 : memref<640xi32, #tpu.memory_space<hbm>>) dst(%arg4 : memref<640xi32, #tpu.memory_space<vmem>>)
      %scan3A_85 = arith.constant 0 : i32
      %scan3A_86 = arith.constant 0 : i32
      %scan3A_87 = arith.constant 20 : i32
      %scan3A_88 = arith.addi %scan3A_86, %scan3A_87 : i32
      %scan3A_89 = arith.constant 1 : i32
      scf.for %scan3A_139 = %scan3A_86 to %scan3A_88 step %scan3A_89  : i32 {
        %mul3A_140 = arith.constant 16 : i32
        %mul3A_141 = arith.muli %scan3A_139, %mul3A_140 : i32
        %get3A = arith.index_cast %mul3A_141 : i32 to index
        %get3A_142 = tpu.vector_load %arg4[%get3A] {strides = array<i32>} : memref<640xi32, #tpu.memory_space<vmem>>, vector<16xi32>,
        %mul3A_143 = arith.constant 16 : i32
        %mul3A_144 = arith.muli %scan3A_139, %mul3A_143 : i32
        %add3A_145 = arith.constant 320 : i32
        %add3A_146 = arith.addi %add3A_145, %mul3A_144 : i32
        %get3A_147 = arith.index_cast %add3A_146 : i32 to index
        %get3A_148 = tpu.vector_load %arg4[%get3A_147] {strides = array<i32>} : memref<640xi32, #tpu.memory_space<vmem>>, vector<16xi32>,
        %sub3A = vector.broadcast %mul3A_2 : i32 to vector<16xi32>
        %sub3A_149 = arith.subi %get3A_148, %sub3A : vector<16xi32>
        %ge3A = arith.constant 0 : i32
        %ge3A_150 = vector.broadcast %ge3A : i32 to vector<16xi32>
        %ge3A_151 = arith.cmpi sge, %sub3A_149, %ge3A_150 : vector<16xi32>
        %lt3A_152 = arith.constant 64 : i32
        %lt3A_153 = vector.broadcast %lt3A_152 : i32 to vector<16xi32>
        %lt3A_154 = arith.cmpi slt, %sub3A_149, %lt3A_153 : vector<16xi32>
        %and3A = arith.andi %ge3A_151, %lt3A_154 : vector<16xi1>
        %mul3A_155 = arith.constant 2000 : i32
        %mul3A_156 = vector.broadcast %mul3A_155 : i32 to vector<16xi32>
        %mul3A_157 = arith.muli %sub3A_149, %mul3A_156 : vector<16xi32>
        %add3A_158 = arith.addi %mul3A_157, %get3A_142 : vector<16xi32>
        tpu.vector_store_idx %arg12[%add3A_158], %broadcast_in_dim3A_5 masked %and3A {add = true} : memref<128000xf32, #tpu.memory_space<vmem>>[vector<16xi32>], vector<16xf32>, vector<16xi1>
      }
      %scan3A_90 = arith.constant 20 : i32
      %lt3A_91 = arith.constant 24 : i32
      %lt3A_92 = arith.cmpi slt, %scan3A_81, %lt3A_91 : i32
      %convert_element_type3A = arith.extui %lt3A_92 : i1 to i32
      %cond3A = arith.constant 0 : i32
      %cond3A_93 = arith.cmpi ne, %convert_element_type3A, %cond3A : i32
      scf.if %cond3A_93 {
        %mul3A_139 = arith.constant 4 : i32
        %mul3A_140 = arith.muli %scan3A_81, %mul3A_139 : i32
        %add3A_141 = arith.constant 0 : i32
        %add3A_142 = arith.addi %mul3A_140, %add3A_141 : i32
        %add3A_143 = arith.constant 4 : i32
        %add3A_144 = arith.addi %add3A_142, %add3A_143 : i32
        %mul3A_145 = arith.constant 2 : i32
        %mul3A_146 = arith.muli %add3A_144, %mul3A_145 : i32
        %mul3A_147 = arith.constant 320 : i32
        %mul3A_148 = arith.muli %mul3A_146, %mul3A_147 : i32
        %dma_start3A_149 = tpu.memref_slice %arg2[%mul3A_148] : memref<64000xi32, #tpu.memory_space<hbm>> -> memref<640xi32, #tpu.memory_space<hbm>>
        %dma_start3A_150 = tpu.memref_slice %arg2[%mul3A_148] : memref<64000xi32, #tpu.memory_space<hbm>> -> memref<640xi32, #tpu.memory_space<hbm>>
        tpu.enqueue_dma source(%dma_start3A_150 : memref<640xi32, #tpu.memory_space<hbm>>) target(%arg4 : memref<640xi32, #tpu.memory_space<vmem>>) target_semaphore(%arg8 : memref<!tpu.dma_semaphore, #tpu.memory_space<semaphore_mem>>)
      } else {
      }
      %dma_wait3A_94 = arith.constant 0 : i32
      %dma_wait3A_95 = tpu.memref_slice %arg2[%dma_wait3A_94] : memref<64000xi32, #tpu.memory_space<hbm>> -> memref<640xi32, #tpu.memory_space<hbm>>
      %dma_wait3A_96 = arith.constant 0 : i32
      %dma_wait3A_97 = tpu.memref_slice %arg2[%dma_wait3A_96] : memref<64000xi32, #tpu.memory_space<hbm>> -> memref<640xi32, #tpu.memory_space<hbm>>
      tpu.wait_dma2 semaphore(%arg9 : memref<!tpu.dma_semaphore, #tpu.memory_space<semaphore_mem>>) src(%dma_wait3A_97 : memref<640xi32, #tpu.memory_space<hbm>>) dst(%arg5 : memref<640xi32, #tpu.memory_space<vmem>>)
      %scan3A_98 = arith.constant 0 : i32
      %scan3A_99 = arith.constant 0 : i32
      %scan3A_100 = arith.constant 20 : i32
      %scan3A_101 = arith.addi %scan3A_99, %scan3A_100 : i32
      %scan3A_102 = arith.constant 1 : i32
      scf.for %scan3A_139 = %scan3A_99 to %scan3A_101 step %scan3A_102  : i32 {
        %mul3A_140 = arith.constant 16 : i32
        %mul3A_141 = arith.muli %scan3A_139, %mul3A_140 : i32
        %get3A = arith.index_cast %mul3A_141 : i32 to index
        %get3A_142 = tpu.vector_load %arg5[%get3A] {strides = array<i32>} : memref<640xi32, #tpu.memory_space<vmem>>, vector<16xi32>,
        %mul3A_143 = arith.constant 16 : i32
        %mul3A_144 = arith.muli %scan3A_139, %mul3A_143 : i32
        %add3A_145 = arith.constant 320 : i32
        %add3A_146 = arith.addi %add3A_145, %mul3A_144 : i32
        %get3A_147 = arith.index_cast %add3A_146 : i32 to index
        %get3A_148 = tpu.vector_load %arg5[%get3A_147] {strides = array<i32>} : memref<640xi32, #tpu.memory_space<vmem>>, vector<16xi32>,
        %sub3A = vector.broadcast %mul3A_2 : i32 to vector<16xi32>
        %sub3A_149 = arith.subi %get3A_148, %sub3A : vector<16xi32>
        %ge3A = arith.constant 0 : i32
        %ge3A_150 = vector.broadcast %ge3A : i32 to vector<16xi32>
        %ge3A_151 = arith.cmpi sge, %sub3A_149, %ge3A_150 : vector<16xi32>
        %lt3A_152 = arith.constant 64 : i32
        %lt3A_153 = vector.broadcast %lt3A_152 : i32 to vector<16xi32>
        %lt3A_154 = arith.cmpi slt, %sub3A_149, %lt3A_153 : vector<16xi32>
        %and3A = arith.andi %ge3A_151, %lt3A_154 : vector<16xi1>
        %mul3A_155 = arith.constant 2000 : i32
        %mul3A_156 = vector.broadcast %mul3A_155 : i32 to vector<16xi32>
        %mul3A_157 = arith.muli %sub3A_149, %mul3A_156 : vector<16xi32>
        %add3A_158 = arith.addi %mul3A_157, %get3A_142 : vector<16xi32>
        tpu.vector_store_idx %arg12[%add3A_158], %broadcast_in_dim3A_5 masked %and3A {add = true} : memref<128000xf32, #tpu.memory_space<vmem>>[vector<16xi32>], vector<16xf32>, vector<16xi1>
      }
      %scan3A_103 = arith.constant 20 : i32
      %lt3A_104 = arith.constant 24 : i32
      %lt3A_105 = arith.cmpi slt, %scan3A_81, %lt3A_104 : i32
      %convert_element_type3A_106 = arith.extui %lt3A_105 : i1 to i32
      %cond3A_107 = arith.constant 0 : i32
      %cond3A_108 = arith.cmpi ne, %convert_element_type3A_106, %cond3A_107 : i32
      scf.if %cond3A_108 {
        %mul3A_139 = arith.constant 4 : i32
        %mul3A_140 = arith.muli %scan3A_81, %mul3A_139 : i32
        %add3A_141 = arith.constant 1 : i32
        %add3A_142 = arith.addi %mul3A_140, %add3A_141 : i32
        %add3A_143 = arith.constant 4 : i32
        %add3A_144 = arith.addi %add3A_142, %add3A_143 : i32
        %mul3A_145 = arith.constant 2 : i32
        %mul3A_146 = arith.muli %add3A_144, %mul3A_145 : i32
        %mul3A_147 = arith.constant 320 : i32
        %mul3A_148 = arith.muli %mul3A_146, %mul3A_147 : i32
        %dma_start3A_149 = tpu.memref_slice %arg2[%mul3A_148] : memref<64000xi32, #tpu.memory_space<hbm>> -> memref<640xi32, #tpu.memory_space<hbm>>
        %dma_start3A_150 = tpu.memref_slice %arg2[%mul3A_148] : memref<64000xi32, #tpu.memory_space<hbm>> -> memref<640xi32, #tpu.memory_space<hbm>>
        tpu.enqueue_dma source(%dma_start3A_150 : memref<640xi32, #tpu.memory_space<hbm>>) target(%arg5 : memref<640xi32, #tpu.memory_space<vmem>>) target_semaphore(%arg9 : memref<!tpu.dma_semaphore, #tpu.memory_space<semaphore_mem>>)
      } else {
      }
      %dma_wait3A_109 = arith.constant 0 : i32
      %dma_wait3A_110 = tpu.memref_slice %arg2[%dma_wait3A_109] : memref<64000xi32, #tpu.memory_space<hbm>> -> memref<640xi32, #tpu.memory_space<hbm>>
      %dma_wait3A_111 = arith.constant 0 : i32
      %dma_wait3A_112 = tpu.memref_slice %arg2[%dma_wait3A_111] : memref<64000xi32, #tpu.memory_space<hbm>> -> memref<640xi32, #tpu.memory_space<hbm>>
      tpu.wait_dma2 semaphore(%arg10 : memref<!tpu.dma_semaphore, #tpu.memory_space<semaphore_mem>>) src(%dma_wait3A_112 : memref<640xi32, #tpu.memory_space<hbm>>) dst(%arg6 : memref<640xi32, #tpu.memory_space<vmem>>)
      %scan3A_113 = arith.constant 0 : i32
      %scan3A_114 = arith.constant 0 : i32
      %scan3A_115 = arith.constant 20 : i32
      %scan3A_116 = arith.addi %scan3A_114, %scan3A_115 : i32
      %scan3A_117 = arith.constant 1 : i32
      scf.for %scan3A_139 = %scan3A_114 to %scan3A_116 step %scan3A_117  : i32 {
        %mul3A_140 = arith.constant 16 : i32
        %mul3A_141 = arith.muli %scan3A_139, %mul3A_140 : i32
        %get3A = arith.index_cast %mul3A_141 : i32 to index
        %get3A_142 = tpu.vector_load %arg6[%get3A] {strides = array<i32>} : memref<640xi32, #tpu.memory_space<vmem>>, vector<16xi32>,
        %mul3A_143 = arith.constant 16 : i32
        %mul3A_144 = arith.muli %scan3A_139, %mul3A_143 : i32
        %add3A_145 = arith.constant 320 : i32
        %add3A_146 = arith.addi %add3A_145, %mul3A_144 : i32
        %get3A_147 = arith.index_cast %add3A_146 : i32 to index
        %get3A_148 = tpu.vector_load %arg6[%get3A_147] {strides = array<i32>} : memref<640xi32, #tpu.memory_space<vmem>>, vector<16xi32>,
        %sub3A = vector.broadcast %mul3A_2 : i32 to vector<16xi32>
        %sub3A_149 = arith.subi %get3A_148, %sub3A : vector<16xi32>
        %ge3A = arith.constant 0 : i32
        %ge3A_150 = vector.broadcast %ge3A : i32 to vector<16xi32>
        %ge3A_151 = arith.cmpi sge, %sub3A_149, %ge3A_150 : vector<16xi32>
        %lt3A_152 = arith.constant 64 : i32
        %lt3A_153 = vector.broadcast %lt3A_152 : i32 to vector<16xi32>
        %lt3A_154 = arith.cmpi slt, %sub3A_149, %lt3A_153 : vector<16xi32>
        %and3A = arith.andi %ge3A_151, %lt3A_154 : vector<16xi1>
        %mul3A_155 = arith.constant 2000 : i32
        %mul3A_156 = vector.broadcast %mul3A_155 : i32 to vector<16xi32>
        %mul3A_157 = arith.muli %sub3A_149, %mul3A_156 : vector<16xi32>
        %add3A_158 = arith.addi %mul3A_157, %get3A_142 : vector<16xi32>
        tpu.vector_store_idx %arg12[%add3A_158], %broadcast_in_dim3A_5 masked %and3A {add = true} : memref<128000xf32, #tpu.memory_space<vmem>>[vector<16xi32>], vector<16xf32>, vector<16xi1>
      }
      %scan3A_118 = arith.constant 20 : i32
      %lt3A_119 = arith.constant 24 : i32
      %lt3A_120 = arith.cmpi slt, %scan3A_81, %lt3A_119 : i32
      %convert_element_type3A_121 = arith.extui %lt3A_120 : i1 to i32
      %cond3A_122 = arith.constant 0 : i32
      %cond3A_123 = arith.cmpi ne, %convert_element_type3A_121, %cond3A_122 : i32
      scf.if %cond3A_123 {
        %mul3A_139 = arith.constant 4 : i32
        %mul3A_140 = arith.muli %scan3A_81, %mul3A_139 : i32
        %add3A_141 = arith.constant 2 : i32
        %add3A_142 = arith.addi %mul3A_140, %add3A_141 : i32
        %add3A_143 = arith.constant 4 : i32
        %add3A_144 = arith.addi %add3A_142, %add3A_143 : i32
        %mul3A_145 = arith.constant 2 : i32
        %mul3A_146 = arith.muli %add3A_144, %mul3A_145 : i32
        %mul3A_147 = arith.constant 320 : i32
        %mul3A_148 = arith.muli %mul3A_146, %mul3A_147 : i32
        %dma_start3A_149 = tpu.memref_slice %arg2[%mul3A_148] : memref<64000xi32, #tpu.memory_space<hbm>> -> memref<640xi32, #tpu.memory_space<hbm>>
        %dma_start3A_150 = tpu.memref_slice %arg2[%mul3A_148] : memref<64000xi32, #tpu.memory_space<hbm>> -> memref<640xi32, #tpu.memory_space<hbm>>
        tpu.enqueue_dma source(%dma_start3A_150 : memref<640xi32, #tpu.memory_space<hbm>>) target(%arg6 : memref<640xi32, #tpu.memory_space<vmem>>) target_semaphore(%arg10 : memref<!tpu.dma_semaphore, #tpu.memory_space<semaphore_mem>>)
      } else {
      }
      %dma_wait3A_124 = arith.constant 0 : i32
      %dma_wait3A_125 = tpu.memref_slice %arg2[%dma_wait3A_124] : memref<64000xi32, #tpu.memory_space<hbm>> -> memref<640xi32, #tpu.memory_space<hbm>>
      %dma_wait3A_126 = arith.constant 0 : i32
      %dma_wait3A_127 = tpu.memref_slice %arg2[%dma_wait3A_126] : memref<64000xi32, #tpu.memory_space<hbm>> -> memref<640xi32, #tpu.memory_space<hbm>>
      tpu.wait_dma2 semaphore(%arg11 : memref<!tpu.dma_semaphore, #tpu.memory_space<semaphore_mem>>) src(%dma_wait3A_127 : memref<640xi32, #tpu.memory_space<hbm>>) dst(%arg7 : memref<640xi32, #tpu.memory_space<vmem>>)
      %scan3A_128 = arith.constant 0 : i32
      %scan3A_129 = arith.constant 0 : i32
      %scan3A_130 = arith.constant 20 : i32
      %scan3A_131 = arith.addi %scan3A_129, %scan3A_130 : i32
      %scan3A_132 = arith.constant 1 : i32
      scf.for %scan3A_139 = %scan3A_129 to %scan3A_131 step %scan3A_132  : i32 {
        %mul3A_140 = arith.constant 16 : i32
        %mul3A_141 = arith.muli %scan3A_139, %mul3A_140 : i32
        %get3A = arith.index_cast %mul3A_141 : i32 to index
        %get3A_142 = tpu.vector_load %arg7[%get3A] {strides = array<i32>} : memref<640xi32, #tpu.memory_space<vmem>>, vector<16xi32>,
        %mul3A_143 = arith.constant 16 : i32
        %mul3A_144 = arith.muli %scan3A_139, %mul3A_143 : i32
        %add3A_145 = arith.constant 320 : i32
        %add3A_146 = arith.addi %add3A_145, %mul3A_144 : i32
        %get3A_147 = arith.index_cast %add3A_146 : i32 to index
        %get3A_148 = tpu.vector_load %arg7[%get3A_147] {strides = array<i32>} : memref<640xi32, #tpu.memory_space<vmem>>, vector<16xi32>,
        %sub3A = vector.broadcast %mul3A_2 : i32 to vector<16xi32>
        %sub3A_149 = arith.subi %get3A_148, %sub3A : vector<16xi32>
        %ge3A = arith.constant 0 : i32
        %ge3A_150 = vector.broadcast %ge3A : i32 to vector<16xi32>
        %ge3A_151 = arith.cmpi sge, %sub3A_149, %ge3A_150 : vector<16xi32>
        %lt3A_152 = arith.constant 64 : i32
        %lt3A_153 = vector.broadcast %lt3A_152 : i32 to vector<16xi32>
        %lt3A_154 = arith.cmpi slt, %sub3A_149, %lt3A_153 : vector<16xi32>
        %and3A = arith.andi %ge3A_151, %lt3A_154 : vector<16xi1>
        %mul3A_155 = arith.constant 2000 : i32
        %mul3A_156 = vector.broadcast %mul3A_155 : i32 to vector<16xi32>
        %mul3A_157 = arith.muli %sub3A_149, %mul3A_156 : vector<16xi32>
        %add3A_158 = arith.addi %mul3A_157, %get3A_142 : vector<16xi32>
        tpu.vector_store_idx %arg12[%add3A_158], %broadcast_in_dim3A_5 masked %and3A {add = true} : memref<128000xf32, #tpu.memory_space<vmem>>[vector<16xi32>], vector<16xf32>, vector<16xi1>
      }
      %scan3A_133 = arith.constant 20 : i32
      %lt3A_134 = arith.constant 24 : i32
      %lt3A_135 = arith.cmpi slt, %scan3A_81, %lt3A_134 : i32
      %convert_element_type3A_136 = arith.extui %lt3A_135 : i1 to i32
      %cond3A_137 = arith.constant 0 : i32
      %cond3A_138 = arith.cmpi ne, %convert_element_type3A_136, %cond3A_137 : i32
      scf.if %cond3A_138 {
        %mul3A_139 = arith.constant 4 : i32
        %mul3A_140 = arith.muli %scan3A_81, %mul3A_139 : i32
        %add3A_141 = arith.constant 3 : i32
        %add3A_142 = arith.addi %mul3A_140, %add3A_141 : i32
        %add3A_143 = arith.constant 4 : i32
        %add3A_144 = arith.addi %add3A_142, %add3A_143 : i32
        %mul3A_145 = arith.constant 2 : i32
        %mul3A_146 = arith.muli %add3A_144, %mul3A_145 : i32
        %mul3A_147 = arith.constant 320 : i32
        %mul3A_148 = arith.muli %mul3A_146, %mul3A_147 : i32
        %dma_start3A_149 = tpu.memref_slice %arg2[%mul3A_148] : memref<64000xi32, #tpu.memory_space<hbm>> -> memref<640xi32, #tpu.memory_space<hbm>>
        %dma_start3A_150 = tpu.memref_slice %arg2[%mul3A_148] : memref<64000xi32, #tpu.memory_space<hbm>> -> memref<640xi32, #tpu.memory_space<hbm>>
        tpu.enqueue_dma source(%dma_start3A_150 : memref<640xi32, #tpu.memory_space<hbm>>) target(%arg7 : memref<640xi32, #tpu.memory_space<vmem>>) target_semaphore(%arg11 : memref<!tpu.dma_semaphore, #tpu.memory_space<semaphore_mem>>)
      } else {
      }
    }
    %scan3A_78 = arith.constant 25 : i32
    %mul3A_79 = arith.constant 2000 : i32
    %mul3A_80 = arith.muli %mul3A_2, %mul3A_79 : i32
    "tpu.region"() ({
      %run_scoped3A = tpu.sem_alloc : memref<!tpu.dma_semaphore, #tpu.memory_space<semaphore_mem>>
      %dma_start3A_81 = tpu.memref_slice %arg3[%mul3A_80] : memref<4096000xf32, #tpu.memory_space<hbm>> -> memref<128000xf32, #tpu.memory_space<hbm>>
      %dma_start3A_82 = tpu.memref_slice %arg3[%mul3A_80] : memref<4096000xf32, #tpu.memory_space<hbm>> -> memref<128000xf32, #tpu.memory_space<hbm>>
      tpu.enqueue_dma source(%arg12 : memref<128000xf32, #tpu.memory_space<vmem>>) target(%dma_start3A_82 : memref<128000xf32, #tpu.memory_space<hbm>>) target_semaphore(%run_scoped3A : memref<!tpu.dma_semaphore, #tpu.memory_space<semaphore_mem>>)
      %dma_wait3A = tpu.memref_slice %arg3[%mul3A_80] : memref<4096000xf32, #tpu.memory_space<hbm>> -> memref<128000xf32, #tpu.memory_space<hbm>>
      %dma_wait3A_83 = tpu.memref_slice %arg3[%mul3A_80] : memref<4096000xf32, #tpu.memory_space<hbm>> -> memref<128000xf32, #tpu.memory_space<hbm>>
      tpu.wait_dma2 semaphore(%run_scoped3A : memref<!tpu.dma_semaphore, #tpu.memory_space<semaphore_mem>>) src(%arg12 : memref<128000xf32, #tpu.memory_space<vmem>>) dst(%dma_wait3A_83 : memref<128000xf32, #tpu.memory_space<hbm>>)
      tpu.yield
    }) : () -> ()
    return
  }
}

module attributes {stable_mosaic.version = 14 : i64} {
  func.func @_layer1_pre_body(%arg0: i32, %arg1: memref<1000x2000xf32, #tpu.memory_space<vmem>>, %arg2: memref<2000x128xf32, #tpu.memory_space<vmem>>, %arg3: memref<1000x128xf32, #tpu.memory_space<vmem>>) attributes {dimension_semantics = [#tpu.dimension_semantics<arbitrary>], iteration_bounds = array<i64: 2>, scalar_prefetch = 0 : i64, scratch_operands = 0 : i64, tpu.core_type = #tpu.core_type<tc>, window_params = [{transform_indices = @transform_0, window_bounds = array<i64: 1000, 2000>}, {pipeline_mode = #tpu.pipeline_mode<synchronous>, transform_indices = @transform_1, window_bounds = array<i64: 2000, 128>}, {transform_indices = @transform_2, window_bounds = array<i64: 1000, 128>}]} {
    %get3A = arith.constant 0 : index
    %get3A_0 = arith.constant 0 : index
    %get3A_1 = vector.load %arg1[%get3A, %get3A_0] : memref<1000x2000xf32, #tpu.memory_space<vmem>>, vector<1000x2000xf32>
    %get3A_2 = arith.constant 0 : index
    %get3A_3 = arith.constant 0 : index
    %get3A_4 = vector.load %arg2[%get3A_2, %get3A_3] : memref<2000x128xf32, #tpu.memory_space<vmem>>, vector<2000x128xf32>
    %dot_general3A = arith.constant dense<0.000000e+00> : vector<1000x128xf32>
    %dot_general3A_5 = tpu.matmul %get3A_1, %get3A_4, %dot_general3A {dimension_numbers = #tpu.dot_dimension_numbers<[1], [0], [0], [1], [0, 0, 1, 1], [], []>, transpose_lhs_hint = false} : vector<1000x2000xf32>, vector<2000x128xf32>, vector<1000x128xf32> -> vector<1000x128xf32>
    %swap3A = arith.constant 0 : index
    %swap3A_6 = arith.constant 0 : index
    %swap3A_7 = vector.load %arg3[%swap3A, %swap3A_6] : memref<1000x128xf32, #tpu.memory_space<vmem>>, vector<1000x128xf32>
    tpu.vector_store %arg3[%swap3A, %swap3A_6], %dot_general3A_5 {strides = array<i32>} : memref<1000x128xf32, #tpu.memory_space<vmem>>, vector<1000x128xf32>,
    return
  }
  func.func @transform_0(%arg0: i32) -> (i32, i32) {
    %c0_i32 = arith.constant 0 : i32
    %c0_i32_0 = arith.constant 0 : i32
    return %arg0, %c0_i32 : i32, i32
  }
  func.func @transform_1(%arg0: i32) -> (i32, i32) {
    %c0_i32 = arith.constant 0 : i32
    %c0_i32_0 = arith.constant 0 : i32
    %c0_i32_1 = arith.constant 0 : i32
    return %c0_i32, %c0_i32_0 : i32, i32
  }
  func.func @transform_2(%arg0: i32) -> (i32, i32) {
    %c0_i32 = arith.constant 0 : i32
    %c0_i32_0 = arith.constant 0 : i32
    return %arg0, %c0_i32 : i32, i32
  }
}

module attributes {stable_mosaic.version = 14 : i64} {
  func.func @_attn1_body(%arg0: i32, %arg1: memref<1000x2000xf32, #tpu.memory_space<vmem>>, %arg2: memref<2000x128xf32, #tpu.memory_space<vmem>>, %arg3: memref<1000x128xf32, #tpu.memory_space<vmem>>, %arg4: memref<8x16xf32, #tpu.memory_space<vmem>>, %arg5: memref<8x16xf32, #tpu.memory_space<vmem>>, %arg6: memref<1x128xf32, #tpu.memory_space<vmem>>, %arg7: memref<1000x128xf32, #tpu.memory_space<vmem>>) attributes {dimension_semantics = [#tpu.dimension_semantics<arbitrary>], iteration_bounds = array<i64: 2>, scalar_prefetch = 0 : i64, scratch_operands = 0 : i64, tpu.core_type = #tpu.core_type<tc>, window_params = [{transform_indices = @transform_0, window_bounds = array<i64: 1000, 2000>}, {pipeline_mode = #tpu.pipeline_mode<synchronous>, transform_indices = @transform_1, window_bounds = array<i64: 2000, 128>}, {transform_indices = @transform_2, window_bounds = array<i64: 1000, 128>}, {pipeline_mode = #tpu.pipeline_mode<synchronous>, transform_indices = @transform_3, window_bounds = array<i64: 8, 16>}, {pipeline_mode = #tpu.pipeline_mode<synchronous>, transform_indices = @transform_4, window_bounds = array<i64: 8, 16>}, {pipeline_mode = #tpu.pipeline_mode<synchronous>, transform_indices = @transform_5, window_bounds = array<i64: 1, 128>}, {transform_indices = @transform_6, window_bounds = array<i64: 1000, 128>}]} {
    %get3A = arith.constant 0 : index
    %get3A_0 = arith.constant 0 : index
    %get3A_1 = vector.load %arg1[%get3A, %get3A_0] : memref<1000x2000xf32, #tpu.memory_space<vmem>>, vector<1000x2000xf32>
    %get3A_2 = arith.constant 0 : index
    %get3A_3 = arith.constant 0 : index
    %get3A_4 = vector.load %arg2[%get3A_2, %get3A_3] : memref<2000x128xf32, #tpu.memory_space<vmem>>, vector<2000x128xf32>
    %get3A_5 = arith.constant 0 : index
    %get3A_6 = arith.constant 0 : index
    %get3A_7 = vector.load %arg4[%get3A_5, %get3A_6] : memref<8x16xf32, #tpu.memory_space<vmem>>, vector<8x16xf32>
    %concatenate3A = tpu.concatenate %get3A_7, %get3A_7, %get3A_7, %get3A_7, %get3A_7, %get3A_7, %get3A_7, %get3A_7 in 1 : vector<8x16xf32>, vector<8x16xf32>, vector<8x16xf32>, vector<8x16xf32>, vector<8x16xf32>, vector<8x16xf32>, vector<8x16xf32>, vector<8x16xf32> -> vector<8x128xf32>
    %iota3A = tpu.iota {dimensions = array<i32: 0>} : vector<8x128xi32>
    %iota3A_8 = tpu.iota {dimensions = array<i32: 1>} : vector<8x128xi32>
    %jit3A = arith.constant 16 : i32
    %div3A = vector.broadcast %jit3A : i32 to vector<8x128xi32>
    %div3A_9 = arith.divsi %iota3A_8, %div3A : vector<8x128xi32>
    %sign3A = arith.constant 0 : i32
    %sign3A_10 = vector.broadcast %sign3A : i32 to vector<8x128xi32>
    %sign3A_11 = arith.cmpi sgt, %iota3A_8, %sign3A_10 : vector<8x128xi32>
    %sign3A_12 = arith.extui %sign3A_11 : vector<8x128xi1> to vector<8x128xi32>
    %sign3A_13 = arith.constant 0 : i32
    %sign3A_14 = vector.broadcast %sign3A_13 : i32 to vector<8x128xi32>
    %sign3A_15 = arith.cmpi slt, %iota3A_8, %sign3A_14 : vector<8x128xi32>
    %sign3A_16 = arith.extui %sign3A_15 : vector<8x128xi1> to vector<8x128xi32>
    %sign3A_17 = arith.subi %sign3A_12, %sign3A_16 : vector<8x128xi32>
    %sign3A_18 = arith.constant 0 : i32
    %sign3A_19 = arith.cmpi sgt, %jit3A, %sign3A_18 : i32
    %sign3A_20 = arith.extui %sign3A_19 : i1 to i32
    %sign3A_21 = arith.constant 0 : i32
    %sign3A_22 = arith.cmpi slt, %jit3A, %sign3A_21 : i32
    %sign3A_23 = arith.extui %sign3A_22 : i1 to i32
    %sign3A_24 = arith.subi %sign3A_20, %sign3A_23 : i32
    %ne3A = vector.broadcast %sign3A_24 : i32 to vector<8x128xi32>
    %ne3A_25 = arith.cmpi ne, %sign3A_17, %ne3A : vector<8x128xi32>
    %rem3A = vector.broadcast %jit3A : i32 to vector<8x128xi32>
    %rem3A_26 = arith.remsi %iota3A_8, %rem3A : vector<8x128xi32>
    %ne3A_27 = arith.constant 0 : i32
    %ne3A_28 = vector.broadcast %ne3A_27 : i32 to vector<8x128xi32>
    %ne3A_29 = arith.cmpi ne, %rem3A_26, %ne3A_28 : vector<8x128xi32>
    %and3A = arith.andi %ne3A_25, %ne3A_29 : vector<8x128xi1>
    %sub3A = arith.constant 1 : i32
    %sub3A_30 = vector.broadcast %sub3A : i32 to vector<8x128xi32>
    %sub3A_31 = arith.subi %div3A_9, %sub3A_30 : vector<8x128xi32>
    %select_n3A = arith.select %and3A, %sub3A_31, %div3A_9 : vector<8x128xi1>, vector<8x128xi32>
    %eq3A = arith.cmpi eq, %select_n3A, %iota3A : vector<8x128xi32>
    %jit3A_32 = arith.constant 0.000000e+00 : f32
    %broadcast_in_dim3A = vector.broadcast %jit3A_32 : f32 to vector<8x128xf32>
    %select_n3A_33 = arith.select %eq3A, %concatenate3A, %broadcast_in_dim3A : vector<8x128xi1>, vector<8x128xf32>
    %dot_general3A = arith.constant dense<0.000000e+00> : vector<8x2000xf32>
    %dot_general3A_34 = tpu.matmul %select_n3A_33, %get3A_4, %dot_general3A {dimension_numbers = #tpu.dot_dimension_numbers<[1], [1], [0], [0], [0, 0, 1, 0], [], []>, transpose_lhs_hint = false} : vector<8x128xf32>, vector<2000x128xf32>, vector<8x2000xf32> -> vector<8x2000xf32>
    %get3A_35 = arith.constant 0 : index
    %get3A_36 = arith.constant 0 : index
    %get3A_37 = vector.load %arg3[%get3A_35, %get3A_36] : memref<1000x128xf32, #tpu.memory_space<vmem>>, vector<1000x128xf32>
    %get3A_38 = arith.constant 0 : index
    %get3A_39 = arith.constant 0 : index
    %get3A_40 = vector.load %arg5[%get3A_38, %get3A_39] : memref<8x16xf32, #tpu.memory_space<vmem>>, vector<8x16xf32>
    %concatenate3A_41 = tpu.concatenate %get3A_40, %get3A_40, %get3A_40, %get3A_40, %get3A_40, %get3A_40, %get3A_40, %get3A_40 in 1 : vector<8x16xf32>, vector<8x16xf32>, vector<8x16xf32>, vector<8x16xf32>, vector<8x16xf32>, vector<8x16xf32>, vector<8x16xf32>, vector<8x16xf32> -> vector<8x128xf32>
    %iota3A_42 = tpu.iota {dimensions = array<i32: 0>} : vector<8x128xi32>
    %iota3A_43 = tpu.iota {dimensions = array<i32: 1>} : vector<8x128xi32>
    %jit3A_44 = arith.constant 16 : i32
    %div3A_45 = vector.broadcast %jit3A_44 : i32 to vector<8x128xi32>
    %div3A_46 = arith.divsi %iota3A_43, %div3A_45 : vector<8x128xi32>
    %sign3A_47 = arith.constant 0 : i32
    %sign3A_48 = vector.broadcast %sign3A_47 : i32 to vector<8x128xi32>
    %sign3A_49 = arith.cmpi sgt, %iota3A_43, %sign3A_48 : vector<8x128xi32>
    %sign3A_50 = arith.extui %sign3A_49 : vector<8x128xi1> to vector<8x128xi32>
    %sign3A_51 = arith.constant 0 : i32
    %sign3A_52 = vector.broadcast %sign3A_51 : i32 to vector<8x128xi32>
    %sign3A_53 = arith.cmpi slt, %iota3A_43, %sign3A_52 : vector<8x128xi32>
    %sign3A_54 = arith.extui %sign3A_53 : vector<8x128xi1> to vector<8x128xi32>
    %sign3A_55 = arith.subi %sign3A_50, %sign3A_54 : vector<8x128xi32>
    %sign3A_56 = arith.constant 0 : i32
    %sign3A_57 = arith.cmpi sgt, %jit3A_44, %sign3A_56 : i32
    %sign3A_58 = arith.extui %sign3A_57 : i1 to i32
    %sign3A_59 = arith.constant 0 : i32
    %sign3A_60 = arith.cmpi slt, %jit3A_44, %sign3A_59 : i32
    %sign3A_61 = arith.extui %sign3A_60 : i1 to i32
    %sign3A_62 = arith.subi %sign3A_58, %sign3A_61 : i32
    %ne3A_63 = vector.broadcast %sign3A_62 : i32 to vector<8x128xi32>
    %ne3A_64 = arith.cmpi ne, %sign3A_55, %ne3A_63 : vector<8x128xi32>
    %rem3A_65 = vector.broadcast %jit3A_44 : i32 to vector<8x128xi32>
    %rem3A_66 = arith.remsi %iota3A_43, %rem3A_65 : vector<8x128xi32>
    %ne3A_67 = arith.constant 0 : i32
    %ne3A_68 = vector.broadcast %ne3A_67 : i32 to vector<8x128xi32>
    %ne3A_69 = arith.cmpi ne, %rem3A_66, %ne3A_68 : vector<8x128xi32>
    %and3A_70 = arith.andi %ne3A_64, %ne3A_69 : vector<8x128xi1>
    %sub3A_71 = arith.constant 1 : i32
    %sub3A_72 = vector.broadcast %sub3A_71 : i32 to vector<8x128xi32>
    %sub3A_73 = arith.subi %div3A_46, %sub3A_72 : vector<8x128xi32>
    %select_n3A_74 = arith.select %and3A_70, %sub3A_73, %div3A_46 : vector<8x128xi1>, vector<8x128xi32>
    %eq3A_75 = arith.cmpi eq, %select_n3A_74, %iota3A_42 : vector<8x128xi32>
    %jit3A_76 = arith.constant 0.000000e+00 : f32
    %broadcast_in_dim3A_77 = vector.broadcast %jit3A_76 : f32 to vector<8x128xf32>
    %select_n3A_78 = arith.select %eq3A_75, %concatenate3A_41, %broadcast_in_dim3A_77 : vector<8x128xi1>, vector<8x128xf32>
    %dot_general3A_79 = arith.constant dense<0.000000e+00> : vector<1000x8xf32>
    %dot_general3A_80 = tpu.matmul %get3A_37, %select_n3A_78, %dot_general3A_79 {dimension_numbers = #tpu.dot_dimension_numbers<[1], [1], [0], [0], [0, 0, 1, 0], [], []>, transpose_lhs_hint = false} : vector<1000x128xf32>, vector<8x128xf32>, vector<1000x8xf32> -> vector<1000x8xf32>
    %broadcast_in_dim3A_81 = arith.constant 1.000000e+00 : f32
    %broadcast_in_dim3A_82 = vector.broadcast %broadcast_in_dim3A_81 : f32 to vector<2000x1xf32>
    %concatenate3A_83 = tpu.concatenate %get3A_4, %broadcast_in_dim3A_82 in 1 : vector<2000x128xf32>, vector<2000x1xf32> -> vector<2000x129xf32>
    %convert_element_type3A = arith.truncf %concatenate3A_83 : vector<2000x129xf32> to vector<2000x129xbf16>
    %slice3A = vector.extract_strided_slice %dot_general3A_34 {offsets = [0, 0], sizes = [1, 2000], strides = [1, 1]} : vector<8x2000xf32> to vector<1x2000xf32>
    %slice3A_84 = vector.extract_strided_slice %dot_general3A_80 {offsets = [0, 0], sizes = [1000, 1], strides = [1, 1]} : vector<1000x8xf32> to vector<1000x1xf32>
    %reduce_max3A = arith.constant dense<0xFF800000> : vector<1xf32>
    %reduce_max3A_85 = vector.multi_reduction <maximumf>, %slice3A, %reduce_max3A [1] : vector<1x2000xf32> to vector<1xf32>
    %broadcast_in_dim3A_86 = vector.shape_cast %reduce_max3A_85 : vector<1xf32> to vector<1x1xf32>
    %add3A = vector.broadcast %broadcast_in_dim3A_86 : vector<1x1xf32> to vector<1000x1xf32>
    %add3A_87 = arith.addf %slice3A_84, %add3A : vector<1000x1xf32>
    %ge3A = arith.constant 0.000000e+00 : f32
    %ge3A_88 = vector.broadcast %ge3A : f32 to vector<1000x1xf32>
    %ge3A_89 = arith.cmpf oge, %add3A_87, %ge3A_88 : vector<1000x1xf32>
    %mul3A = arith.constant 2.000000e-01 : f32
    %mul3A_90 = vector.broadcast %mul3A : f32 to vector<1000x1xf32>
    %mul3A_91 = arith.mulf %mul3A_90, %add3A_87 : vector<1000x1xf32>
    %select_n3A_92 = arith.select %ge3A_89, %add3A_87, %mul3A_91 : vector<1000x1xi1>, vector<1000x1xf32>
    %sub3A_93 = arith.subf %slice3A_84, %select_n3A_92 : vector<1000x1xf32>
    %exp3A = math.exp %sub3A_93 : vector<1000x1xf32>
    %mul3A_94 = arith.constant 2.000000e-01 : f32
    %mul3A_95 = vector.broadcast %mul3A_94 : f32 to vector<1000x1xf32>
    %mul3A_96 = arith.mulf %mul3A_95, %slice3A_84 : vector<1000x1xf32>
    %sub3A_97 = arith.subf %mul3A_96, %select_n3A_92 : vector<1000x1xf32>
    %exp3A_98 = math.exp %sub3A_97 : vector<1000x1xf32>
    %exp3A_99 = math.exp %slice3A : vector<1x2000xf32>
    %mul3A_100 = arith.constant 2.000000e-01 : f32
    %mul3A_101 = vector.broadcast %mul3A_100 : f32 to vector<1x2000xf32>
    %mul3A_102 = arith.mulf %mul3A_101, %slice3A : vector<1x2000xf32>
    %exp3A_103 = math.exp %mul3A_102 : vector<1x2000xf32>
    %mul3A_104 = vector.broadcast %exp3A : vector<1000x1xf32> to vector<1000x2000xf32>
    %mul3A_105 = vector.broadcast %exp3A_99 : vector<1x2000xf32> to vector<1000x2000xf32>
    %mul3A_106 = arith.mulf %mul3A_104, %mul3A_105 : vector<1000x2000xf32>
    %mul3A_107 = vector.broadcast %exp3A_98 : vector<1000x1xf32> to vector<1000x2000xf32>
    %mul3A_108 = vector.broadcast %exp3A_103 : vector<1x2000xf32> to vector<1000x2000xf32>
    %mul3A_109 = arith.mulf %mul3A_107, %mul3A_108 : vector<1000x2000xf32>
    %max3A = arith.maximumf %mul3A_106, %mul3A_109 : vector<1000x2000xf32>
    %mul3A_110 = arith.mulf %get3A_1, %max3A : vector<1000x2000xf32>
    %convert_element_type3A_111 = arith.truncf %mul3A_110 : vector<1000x2000xf32> to vector<1000x2000xbf16>
    %slice3A_112 = vector.extract_strided_slice %convert_element_type3A {offsets = [0, 0], sizes = [2000, 16], strides = [1, 1]} : vector<2000x129xbf16> to vector<2000x16xbf16>
    %slice3A_113 = vector.extract_strided_slice %convert_element_type3A {offsets = [0, 128], sizes = [2000, 1], strides = [1, 1]} : vector<2000x129xbf16> to vector<2000x1xbf16>
    %concatenate3A_114 = tpu.concatenate %slice3A_112, %slice3A_113 in 1 : vector<2000x16xbf16>, vector<2000x1xbf16> -> vector<2000x17xbf16>
    %dot_general3A_115 = arith.constant dense<0.000000e+00> : vector<1000x17xf32>
    %dot_general3A_116 = tpu.matmul %convert_element_type3A_111, %concatenate3A_114, %dot_general3A_115 {dimension_numbers = #tpu.dot_dimension_numbers<[1], [0], [0], [1], [0, 0, 1, 1], [], []>, transpose_lhs_hint = false} : vector<1000x2000xbf16>, vector<2000x17xbf16>, vector<1000x17xf32> -> vector<1000x17xf32>
    %slice3A_117 = vector.extract_strided_slice %dot_general3A_116 {offsets = [0, 0], sizes = [1000, 16], strides = [1, 1]} : vector<1000x17xf32> to vector<1000x16xf32>
    %slice3A_118 = vector.extract_strided_slice %dot_general3A_116 {offsets = [0, 16], sizes = [1000, 1], strides = [1, 1]} : vector<1000x17xf32> to vector<1000x1xf32>
    %add3A_119 = arith.constant 1.000000e-16 : f32
    %add3A_120 = vector.broadcast %add3A_119 : f32 to vector<1000x1xf32>
    %add3A_121 = arith.addf %slice3A_118, %add3A_120 : vector<1000x1xf32>
    %div3A_122 = vector.broadcast %add3A_121 : vector<1000x1xf32> to vector<1000x16xf32>
    %div3A_123 = arith.divf %slice3A_117, %div3A_122 : vector<1000x16xf32>
    %get3A_124 = arith.constant 0 : index
    %get3A_125 = arith.constant 0 : index
    %get3A_126 = vector.load %arg6[%get3A_124, %get3A_125] : memref<1x128xf32, #tpu.memory_space<vmem>>, vector<1x16xf32>
    %add3A_127 = vector.broadcast %get3A_126 : vector<1x16xf32> to vector<1000x16xf32>
    %add3A_128 = arith.addf %div3A_123, %add3A_127 : vector<1000x16xf32>
    %gt3A = arith.constant 0.000000e+00 : f32
    %gt3A_129 = vector.broadcast %gt3A : f32 to vector<1000x16xf32>
    %gt3A_130 = arith.cmpf ogt, %add3A_128, %gt3A_129 : vector<1000x16xf32>
    %min3A = arith.constant 0.000000e+00 : f32
    %min3A_131 = vector.broadcast %min3A : f32 to vector<1000x16xf32>
    %min3A_132 = arith.minimumf %add3A_128, %min3A_131 : vector<1000x16xf32>
    %exp3A_133 = math.exp %min3A_132 : vector<1000x16xf32>
    %sub3A_134 = arith.constant 1.000000e+00 : f32
    %sub3A_135 = vector.broadcast %sub3A_134 : f32 to vector<1000x16xf32>
    %sub3A_136 = arith.subf %exp3A_133, %sub3A_135 : vector<1000x16xf32>
    %select_n3A_137 = arith.select %gt3A_130, %add3A_128, %sub3A_136 : vector<1000x16xi1>, vector<1000x16xf32>
    %swap3A = arith.constant 0 : index
    %swap3A_138 = arith.constant 0 : index
    %swap3A_139 = vector.load %arg7[%swap3A, %swap3A_138] : memref<1000x128xf32, #tpu.memory_space<vmem>>, vector<1000x16xf32>
    tpu.vector_store %arg7[%swap3A, %swap3A_138], %select_n3A_137 {strides = array<i32>} : memref<1000x128xf32, #tpu.memory_space<vmem>>, vector<1000x16xf32>,
    %slice3A_140 = vector.extract_strided_slice %dot_general3A_34 {offsets = [1, 0], sizes = [1, 2000], strides = [1, 1]} : vector<8x2000xf32> to vector<1x2000xf32>
    %slice3A_141 = vector.extract_strided_slice %dot_general3A_80 {offsets = [0, 1], sizes = [1000, 1], strides = [1, 1]} : vector<1000x8xf32> to vector<1000x1xf32>
    %reduce_max3A_142 = arith.constant dense<0xFF800000> : vector<1xf32>
    %reduce_max3A_143 = vector.multi_reduction <maximumf>, %slice3A_140, %reduce_max3A_142 [1] : vector<1x2000xf32> to vector<1xf32>
    %broadcast_in_dim3A_144 = vector.shape_cast %reduce_max3A_143 : vector<1xf32> to vector<1x1xf32>
    %add3A_145 = vector.broadcast %broadcast_in_dim3A_144 : vector<1x1xf32> to vector<1000x1xf32>
    %add3A_146 = arith.addf %slice3A_141, %add3A_145 : vector<1000x1xf32>
    %ge3A_147 = arith.constant 0.000000e+00 : f32
    %ge3A_148 = vector.broadcast %ge3A_147 : f32 to vector<1000x1xf32>
    %ge3A_149 = arith.cmpf oge, %add3A_146, %ge3A_148 : vector<1000x1xf32>
    %mul3A_150 = arith.constant 2.000000e-01 : f32
    %mul3A_151 = vector.broadcast %mul3A_150 : f32 to vector<1000x1xf32>
    %mul3A_152 = arith.mulf %mul3A_151, %add3A_146 : vector<1000x1xf32>
    %select_n3A_153 = arith.select %ge3A_149, %add3A_146, %mul3A_152 : vector<1000x1xi1>, vector<1000x1xf32>
    %sub3A_154 = arith.subf %slice3A_141, %select_n3A_153 : vector<1000x1xf32>
    %exp3A_155 = math.exp %sub3A_154 : vector<1000x1xf32>
    %mul3A_156 = arith.constant 2.000000e-01 : f32
    %mul3A_157 = vector.broadcast %mul3A_156 : f32 to vector<1000x1xf32>
    %mul3A_158 = arith.mulf %mul3A_157, %slice3A_141 : vector<1000x1xf32>
    %sub3A_159 = arith.subf %mul3A_158, %select_n3A_153 : vector<1000x1xf32>
    %exp3A_160 = math.exp %sub3A_159 : vector<1000x1xf32>
    %exp3A_161 = math.exp %slice3A_140 : vector<1x2000xf32>
    %mul3A_162 = arith.constant 2.000000e-01 : f32
    %mul3A_163 = vector.broadcast %mul3A_162 : f32 to vector<1x2000xf32>
    %mul3A_164 = arith.mulf %mul3A_163, %slice3A_140 : vector<1x2000xf32>
    %exp3A_165 = math.exp %mul3A_164 : vector<1x2000xf32>
    %mul3A_166 = vector.broadcast %exp3A_155 : vector<1000x1xf32> to vector<1000x2000xf32>
    %mul3A_167 = vector.broadcast %exp3A_161 : vector<1x2000xf32> to vector<1000x2000xf32>
    %mul3A_168 = arith.mulf %mul3A_166, %mul3A_167 : vector<1000x2000xf32>
    %mul3A_169 = vector.broadcast %exp3A_160 : vector<1000x1xf32> to vector<1000x2000xf32>
    %mul3A_170 = vector.broadcast %exp3A_165 : vector<1x2000xf32> to vector<1000x2000xf32>
    %mul3A_171 = arith.mulf %mul3A_169, %mul3A_170 : vector<1000x2000xf32>
    %max3A_172 = arith.maximumf %mul3A_168, %mul3A_171 : vector<1000x2000xf32>
    %mul3A_173 = arith.mulf %get3A_1, %max3A_172 : vector<1000x2000xf32>
    %convert_element_type3A_174 = arith.truncf %mul3A_173 : vector<1000x2000xf32> to vector<1000x2000xbf16>
    %slice3A_175 = vector.extract_strided_slice %convert_element_type3A {offsets = [0, 16], sizes = [2000, 16], strides = [1, 1]} : vector<2000x129xbf16> to vector<2000x16xbf16>
    %slice3A_176 = vector.extract_strided_slice %convert_element_type3A {offsets = [0, 128], sizes = [2000, 1], strides = [1, 1]} : vector<2000x129xbf16> to vector<2000x1xbf16>
    %concatenate3A_177 = tpu.concatenate %slice3A_175, %slice3A_176 in 1 : vector<2000x16xbf16>, vector<2000x1xbf16> -> vector<2000x17xbf16>
    %dot_general3A_178 = arith.constant dense<0.000000e+00> : vector<1000x17xf32>
    %dot_general3A_179 = tpu.matmul %convert_element_type3A_174, %concatenate3A_177, %dot_general3A_178 {dimension_numbers = #tpu.dot_dimension_numbers<[1], [0], [0], [1], [0, 0, 1, 1], [], []>, transpose_lhs_hint = false} : vector<1000x2000xbf16>, vector<2000x17xbf16>, vector<1000x17xf32> -> vector<1000x17xf32>
    %slice3A_180 = vector.extract_strided_slice %dot_general3A_179 {offsets = [0, 0], sizes = [1000, 16], strides = [1, 1]} : vector<1000x17xf32> to vector<1000x16xf32>
    %slice3A_181 = vector.extract_strided_slice %dot_general3A_179 {offsets = [0, 16], sizes = [1000, 1], strides = [1, 1]} : vector<1000x17xf32> to vector<1000x1xf32>
    %add3A_182 = arith.constant 1.000000e-16 : f32
    %add3A_183 = vector.broadcast %add3A_182 : f32 to vector<1000x1xf32>
    %add3A_184 = arith.addf %slice3A_181, %add3A_183 : vector<1000x1xf32>
    %div3A_185 = vector.broadcast %add3A_184 : vector<1000x1xf32> to vector<1000x16xf32>
    %div3A_186 = arith.divf %slice3A_180, %div3A_185 : vector<1000x16xf32>
    %get3A_187 = arith.constant 0 : index
    %get3A_188 = arith.constant 16 : index
    %get3A_189 = vector.load %arg6[%get3A_187, %get3A_188] : memref<1x128xf32, #tpu.memory_space<vmem>>, vector<1x16xf32>
    %add3A_190 = vector.broadcast %get3A_189 : vector<1x16xf32> to vector<1000x16xf32>
    %add3A_191 = arith.addf %div3A_186, %add3A_190 : vector<1000x16xf32>
    %gt3A_192 = arith.constant 0.000000e+00 : f32
    %gt3A_193 = vector.broadcast %gt3A_192 : f32 to vector<1000x16xf32>
    %gt3A_194 = arith.cmpf ogt, %add3A_191, %gt3A_193 : vector<1000x16xf32>
    %min3A_195 = arith.constant 0.000000e+00 : f32
    %min3A_196 = vector.broadcast %min3A_195 : f32 to vector<1000x16xf32>
    %min3A_197 = arith.minimumf %add3A_191, %min3A_196 : vector<1000x16xf32>
    %exp3A_198 = math.exp %min3A_197 : vector<1000x16xf32>
    %sub3A_199 = arith.constant 1.000000e+00 : f32
    %sub3A_200 = vector.broadcast %sub3A_199 : f32 to vector<1000x16xf32>
    %sub3A_201 = arith.subf %exp3A_198, %sub3A_200 : vector<1000x16xf32>
    %select_n3A_202 = arith.select %gt3A_194, %add3A_191, %sub3A_201 : vector<1000x16xi1>, vector<1000x16xf32>
    %swap3A_203 = arith.constant 0 : index
    %swap3A_204 = arith.constant 16 : index
    %swap3A_205 = vector.load %arg7[%swap3A_203, %swap3A_204] : memref<1000x128xf32, #tpu.memory_space<vmem>>, vector<1000x16xf32>
    tpu.vector_store %arg7[%swap3A_203, %swap3A_204], %select_n3A_202 {strides = array<i32>} : memref<1000x128xf32, #tpu.memory_space<vmem>>, vector<1000x16xf32>,
    %slice3A_206 = vector.extract_strided_slice %dot_general3A_34 {offsets = [2, 0], sizes = [1, 2000], strides = [1, 1]} : vector<8x2000xf32> to vector<1x2000xf32>
    %slice3A_207 = vector.extract_strided_slice %dot_general3A_80 {offsets = [0, 2], sizes = [1000, 1], strides = [1, 1]} : vector<1000x8xf32> to vector<1000x1xf32>
    %reduce_max3A_208 = arith.constant dense<0xFF800000> : vector<1xf32>
    %reduce_max3A_209 = vector.multi_reduction <maximumf>, %slice3A_206, %reduce_max3A_208 [1] : vector<1x2000xf32> to vector<1xf32>
    %broadcast_in_dim3A_210 = vector.shape_cast %reduce_max3A_209 : vector<1xf32> to vector<1x1xf32>
    %add3A_211 = vector.broadcast %broadcast_in_dim3A_210 : vector<1x1xf32> to vector<1000x1xf32>
    %add3A_212 = arith.addf %slice3A_207, %add3A_211 : vector<1000x1xf32>
    %ge3A_213 = arith.constant 0.000000e+00 : f32
    %ge3A_214 = vector.broadcast %ge3A_213 : f32 to vector<1000x1xf32>
    %ge3A_215 = arith.cmpf oge, %add3A_212, %ge3A_214 : vector<1000x1xf32>
    %mul3A_216 = arith.constant 2.000000e-01 : f32
    %mul3A_217 = vector.broadcast %mul3A_216 : f32 to vector<1000x1xf32>
    %mul3A_218 = arith.mulf %mul3A_217, %add3A_212 : vector<1000x1xf32>
    %select_n3A_219 = arith.select %ge3A_215, %add3A_212, %mul3A_218 : vector<1000x1xi1>, vector<1000x1xf32>
    %sub3A_220 = arith.subf %slice3A_207, %select_n3A_219 : vector<1000x1xf32>
    %exp3A_221 = math.exp %sub3A_220 : vector<1000x1xf32>
    %mul3A_222 = arith.constant 2.000000e-01 : f32
    %mul3A_223 = vector.broadcast %mul3A_222 : f32 to vector<1000x1xf32>
    %mul3A_224 = arith.mulf %mul3A_223, %slice3A_207 : vector<1000x1xf32>
    %sub3A_225 = arith.subf %mul3A_224, %select_n3A_219 : vector<1000x1xf32>
    %exp3A_226 = math.exp %sub3A_225 : vector<1000x1xf32>
    %exp3A_227 = math.exp %slice3A_206 : vector<1x2000xf32>
    %mul3A_228 = arith.constant 2.000000e-01 : f32
    %mul3A_229 = vector.broadcast %mul3A_228 : f32 to vector<1x2000xf32>
    %mul3A_230 = arith.mulf %mul3A_229, %slice3A_206 : vector<1x2000xf32>
    %exp3A_231 = math.exp %mul3A_230 : vector<1x2000xf32>
    %mul3A_232 = vector.broadcast %exp3A_221 : vector<1000x1xf32> to vector<1000x2000xf32>
    %mul3A_233 = vector.broadcast %exp3A_227 : vector<1x2000xf32> to vector<1000x2000xf32>
    %mul3A_234 = arith.mulf %mul3A_232, %mul3A_233 : vector<1000x2000xf32>
    %mul3A_235 = vector.broadcast %exp3A_226 : vector<1000x1xf32> to vector<1000x2000xf32>
    %mul3A_236 = vector.broadcast %exp3A_231 : vector<1x2000xf32> to vector<1000x2000xf32>
    %mul3A_237 = arith.mulf %mul3A_235, %mul3A_236 : vector<1000x2000xf32>
    %max3A_238 = arith.maximumf %mul3A_234, %mul3A_237 : vector<1000x2000xf32>
    %mul3A_239 = arith.mulf %get3A_1, %max3A_238 : vector<1000x2000xf32>
    %convert_element_type3A_240 = arith.truncf %mul3A_239 : vector<1000x2000xf32> to vector<1000x2000xbf16>
    %slice3A_241 = vector.extract_strided_slice %convert_element_type3A {offsets = [0, 32], sizes = [2000, 16], strides = [1, 1]} : vector<2000x129xbf16> to vector<2000x16xbf16>
    %slice3A_242 = vector.extract_strided_slice %convert_element_type3A {offsets = [0, 128], sizes = [2000, 1], strides = [1, 1]} : vector<2000x129xbf16> to vector<2000x1xbf16>
    %concatenate3A_243 = tpu.concatenate %slice3A_241, %slice3A_242 in 1 : vector<2000x16xbf16>, vector<2000x1xbf16> -> vector<2000x17xbf16>
    %dot_general3A_244 = arith.constant dense<0.000000e+00> : vector<1000x17xf32>
    %dot_general3A_245 = tpu.matmul %convert_element_type3A_240, %concatenate3A_243, %dot_general3A_244 {dimension_numbers = #tpu.dot_dimension_numbers<[1], [0], [0], [1], [0, 0, 1, 1], [], []>, transpose_lhs_hint = false} : vector<1000x2000xbf16>, vector<2000x17xbf16>, vector<1000x17xf32> -> vector<1000x17xf32>
    %slice3A_246 = vector.extract_strided_slice %dot_general3A_245 {offsets = [0, 0], sizes = [1000, 16], strides = [1, 1]} : vector<1000x17xf32> to vector<1000x16xf32>
    %slice3A_247 = vector.extract_strided_slice %dot_general3A_245 {offsets = [0, 16], sizes = [1000, 1], strides = [1, 1]} : vector<1000x17xf32> to vector<1000x1xf32>
    %add3A_248 = arith.constant 1.000000e-16 : f32
    %add3A_249 = vector.broadcast %add3A_248 : f32 to vector<1000x1xf32>
    %add3A_250 = arith.addf %slice3A_247, %add3A_249 : vector<1000x1xf32>
    %div3A_251 = vector.broadcast %add3A_250 : vector<1000x1xf32> to vector<1000x16xf32>
    %div3A_252 = arith.divf %slice3A_246, %div3A_251 : vector<1000x16xf32>
    %get3A_253 = arith.constant 0 : index
    %get3A_254 = arith.constant 32 : index
    %get3A_255 = vector.load %arg6[%get3A_253, %get3A_254] : memref<1x128xf32, #tpu.memory_space<vmem>>, vector<1x16xf32>
    %add3A_256 = vector.broadcast %get3A_255 : vector<1x16xf32> to vector<1000x16xf32>
    %add3A_257 = arith.addf %div3A_252, %add3A_256 : vector<1000x16xf32>
    %gt3A_258 = arith.constant 0.000000e+00 : f32
    %gt3A_259 = vector.broadcast %gt3A_258 : f32 to vector<1000x16xf32>
    %gt3A_260 = arith.cmpf ogt, %add3A_257, %gt3A_259 : vector<1000x16xf32>
    %min3A_261 = arith.constant 0.000000e+00 : f32
    %min3A_262 = vector.broadcast %min3A_261 : f32 to vector<1000x16xf32>
    %min3A_263 = arith.minimumf %add3A_257, %min3A_262 : vector<1000x16xf32>
    %exp3A_264 = math.exp %min3A_263 : vector<1000x16xf32>
    %sub3A_265 = arith.constant 1.000000e+00 : f32
    %sub3A_266 = vector.broadcast %sub3A_265 : f32 to vector<1000x16xf32>
    %sub3A_267 = arith.subf %exp3A_264, %sub3A_266 : vector<1000x16xf32>
    %select_n3A_268 = arith.select %gt3A_260, %add3A_257, %sub3A_267 : vector<1000x16xi1>, vector<1000x16xf32>
    %swap3A_269 = arith.constant 0 : index
    %swap3A_270 = arith.constant 32 : index
    %swap3A_271 = vector.load %arg7[%swap3A_269, %swap3A_270] : memref<1000x128xf32, #tpu.memory_space<vmem>>, vector<1000x16xf32>
    tpu.vector_store %arg7[%swap3A_269, %swap3A_270], %select_n3A_268 {strides = array<i32>} : memref<1000x128xf32, #tpu.memory_space<vmem>>, vector<1000x16xf32>,
    %slice3A_272 = vector.extract_strided_slice %dot_general3A_34 {offsets = [3, 0], sizes = [1, 2000], strides = [1, 1]} : vector<8x2000xf32> to vector<1x2000xf32>
    %slice3A_273 = vector.extract_strided_slice %dot_general3A_80 {offsets = [0, 3], sizes = [1000, 1], strides = [1, 1]} : vector<1000x8xf32> to vector<1000x1xf32>
    %reduce_max3A_274 = arith.constant dense<0xFF800000> : vector<1xf32>
    %reduce_max3A_275 = vector.multi_reduction <maximumf>, %slice3A_272, %reduce_max3A_274 [1] : vector<1x2000xf32> to vector<1xf32>
    %broadcast_in_dim3A_276 = vector.shape_cast %reduce_max3A_275 : vector<1xf32> to vector<1x1xf32>
    %add3A_277 = vector.broadcast %broadcast_in_dim3A_276 : vector<1x1xf32> to vector<1000x1xf32>
    %add3A_278 = arith.addf %slice3A_273, %add3A_277 : vector<1000x1xf32>
    %ge3A_279 = arith.constant 0.000000e+00 : f32
    %ge3A_280 = vector.broadcast %ge3A_279 : f32 to vector<1000x1xf32>
    %ge3A_281 = arith.cmpf oge, %add3A_278, %ge3A_280 : vector<1000x1xf32>
    %mul3A_282 = arith.constant 2.000000e-01 : f32
    %mul3A_283 = vector.broadcast %mul3A_282 : f32 to vector<1000x1xf32>
    %mul3A_284 = arith.mulf %mul3A_283, %add3A_278 : vector<1000x1xf32>
    %select_n3A_285 = arith.select %ge3A_281, %add3A_278, %mul3A_284 : vector<1000x1xi1>, vector<1000x1xf32>
    %sub3A_286 = arith.subf %slice3A_273, %select_n3A_285 : vector<1000x1xf32>
    %exp3A_287 = math.exp %sub3A_286 : vector<1000x1xf32>
    %mul3A_288 = arith.constant 2.000000e-01 : f32
    %mul3A_289 = vector.broadcast %mul3A_288 : f32 to vector<1000x1xf32>
    %mul3A_290 = arith.mulf %mul3A_289, %slice3A_273 : vector<1000x1xf32>
    %sub3A_291 = arith.subf %mul3A_290, %select_n3A_285 : vector<1000x1xf32>
    %exp3A_292 = math.exp %sub3A_291 : vector<1000x1xf32>
    %exp3A_293 = math.exp %slice3A_272 : vector<1x2000xf32>
    %mul3A_294 = arith.constant 2.000000e-01 : f32
    %mul3A_295 = vector.broadcast %mul3A_294 : f32 to vector<1x2000xf32>
    %mul3A_296 = arith.mulf %mul3A_295, %slice3A_272 : vector<1x2000xf32>
    %exp3A_297 = math.exp %mul3A_296 : vector<1x2000xf32>
    %mul3A_298 = vector.broadcast %exp3A_287 : vector<1000x1xf32> to vector<1000x2000xf32>
    %mul3A_299 = vector.broadcast %exp3A_293 : vector<1x2000xf32> to vector<1000x2000xf32>
    %mul3A_300 = arith.mulf %mul3A_298, %mul3A_299 : vector<1000x2000xf32>
    %mul3A_301 = vector.broadcast %exp3A_292 : vector<1000x1xf32> to vector<1000x2000xf32>
    %mul3A_302 = vector.broadcast %exp3A_297 : vector<1x2000xf32> to vector<1000x2000xf32>
    %mul3A_303 = arith.mulf %mul3A_301, %mul3A_302 : vector<1000x2000xf32>
    %max3A_304 = arith.maximumf %mul3A_300, %mul3A_303 : vector<1000x2000xf32>
    %mul3A_305 = arith.mulf %get3A_1, %max3A_304 : vector<1000x2000xf32>
    %convert_element_type3A_306 = arith.truncf %mul3A_305 : vector<1000x2000xf32> to vector<1000x2000xbf16>
    %slice3A_307 = vector.extract_strided_slice %convert_element_type3A {offsets = [0, 48], sizes = [2000, 16], strides = [1, 1]} : vector<2000x129xbf16> to vector<2000x16xbf16>
    %slice3A_308 = vector.extract_strided_slice %convert_element_type3A {offsets = [0, 128], sizes = [2000, 1], strides = [1, 1]} : vector<2000x129xbf16> to vector<2000x1xbf16>
    %concatenate3A_309 = tpu.concatenate %slice3A_307, %slice3A_308 in 1 : vector<2000x16xbf16>, vector<2000x1xbf16> -> vector<2000x17xbf16>
    %dot_general3A_310 = arith.constant dense<0.000000e+00> : vector<1000x17xf32>
    %dot_general3A_311 = tpu.matmul %convert_element_type3A_306, %concatenate3A_309, %dot_general3A_310 {dimension_numbers = #tpu.dot_dimension_numbers<[1], [0], [0], [1], [0, 0, 1, 1], [], []>, transpose_lhs_hint = false} : vector<1000x2000xbf16>, vector<2000x17xbf16>, vector<1000x17xf32> -> vector<1000x17xf32>
    %slice3A_312 = vector.extract_strided_slice %dot_general3A_311 {offsets = [0, 0], sizes = [1000, 16], strides = [1, 1]} : vector<1000x17xf32> to vector<1000x16xf32>
    %slice3A_313 = vector.extract_strided_slice %dot_general3A_311 {offsets = [0, 16], sizes = [1000, 1], strides = [1, 1]} : vector<1000x17xf32> to vector<1000x1xf32>
    %add3A_314 = arith.constant 1.000000e-16 : f32
    %add3A_315 = vector.broadcast %add3A_314 : f32 to vector<1000x1xf32>
    %add3A_316 = arith.addf %slice3A_313, %add3A_315 : vector<1000x1xf32>
    %div3A_317 = vector.broadcast %add3A_316 : vector<1000x1xf32> to vector<1000x16xf32>
    %div3A_318 = arith.divf %slice3A_312, %div3A_317 : vector<1000x16xf32>
    %get3A_319 = arith.constant 0 : index
    %get3A_320 = arith.constant 48 : index
    %get3A_321 = vector.load %arg6[%get3A_319, %get3A_320] : memref<1x128xf32, #tpu.memory_space<vmem>>, vector<1x16xf32>
    %add3A_322 = vector.broadcast %get3A_321 : vector<1x16xf32> to vector<1000x16xf32>
    %add3A_323 = arith.addf %div3A_318, %add3A_322 : vector<1000x16xf32>
    %gt3A_324 = arith.constant 0.000000e+00 : f32
    %gt3A_325 = vector.broadcast %gt3A_324 : f32 to vector<1000x16xf32>
    %gt3A_326 = arith.cmpf ogt, %add3A_323, %gt3A_325 : vector<1000x16xf32>
    %min3A_327 = arith.constant 0.000000e+00 : f32
    %min3A_328 = vector.broadcast %min3A_327 : f32 to vector<1000x16xf32>
    %min3A_329 = arith.minimumf %add3A_323, %min3A_328 : vector<1000x16xf32>
    %exp3A_330 = math.exp %min3A_329 : vector<1000x16xf32>
    %sub3A_331 = arith.constant 1.000000e+00 : f32
    %sub3A_332 = vector.broadcast %sub3A_331 : f32 to vector<1000x16xf32>
    %sub3A_333 = arith.subf %exp3A_330, %sub3A_332 : vector<1000x16xf32>
    %select_n3A_334 = arith.select %gt3A_326, %add3A_323, %sub3A_333 : vector<1000x16xi1>, vector<1000x16xf32>
    %swap3A_335 = arith.constant 0 : index
    %swap3A_336 = arith.constant 48 : index
    %swap3A_337 = vector.load %arg7[%swap3A_335, %swap3A_336] : memref<1000x128xf32, #tpu.memory_space<vmem>>, vector<1000x16xf32>
    tpu.vector_store %arg7[%swap3A_335, %swap3A_336], %select_n3A_334 {strides = array<i32>} : memref<1000x128xf32, #tpu.memory_space<vmem>>, vector<1000x16xf32>,
    %slice3A_338 = vector.extract_strided_slice %dot_general3A_34 {offsets = [4, 0], sizes = [1, 2000], strides = [1, 1]} : vector<8x2000xf32> to vector<1x2000xf32>
    %slice3A_339 = vector.extract_strided_slice %dot_general3A_80 {offsets = [0, 4], sizes = [1000, 1], strides = [1, 1]} : vector<1000x8xf32> to vector<1000x1xf32>
    %reduce_max3A_340 = arith.constant dense<0xFF800000> : vector<1xf32>
    %reduce_max3A_341 = vector.multi_reduction <maximumf>, %slice3A_338, %reduce_max3A_340 [1] : vector<1x2000xf32> to vector<1xf32>
    %broadcast_in_dim3A_342 = vector.shape_cast %reduce_max3A_341 : vector<1xf32> to vector<1x1xf32>
    %add3A_343 = vector.broadcast %broadcast_in_dim3A_342 : vector<1x1xf32> to vector<1000x1xf32>
    %add3A_344 = arith.addf %slice3A_339, %add3A_343 : vector<1000x1xf32>
    %ge3A_345 = arith.constant 0.000000e+00 : f32
    %ge3A_346 = vector.broadcast %ge3A_345 : f32 to vector<1000x1xf32>
    %ge3A_347 = arith.cmpf oge, %add3A_344, %ge3A_346 : vector<1000x1xf32>
    %mul3A_348 = arith.constant 2.000000e-01 : f32
    %mul3A_349 = vector.broadcast %mul3A_348 : f32 to vector<1000x1xf32>
    %mul3A_350 = arith.mulf %mul3A_349, %add3A_344 : vector<1000x1xf32>
    %select_n3A_351 = arith.select %ge3A_347, %add3A_344, %mul3A_350 : vector<1000x1xi1>, vector<1000x1xf32>
    %sub3A_352 = arith.subf %slice3A_339, %select_n3A_351 : vector<1000x1xf32>
    %exp3A_353 = math.exp %sub3A_352 : vector<1000x1xf32>
    %mul3A_354 = arith.constant 2.000000e-01 : f32
    %mul3A_355 = vector.broadcast %mul3A_354 : f32 to vector<1000x1xf32>
    %mul3A_356 = arith.mulf %mul3A_355, %slice3A_339 : vector<1000x1xf32>
    %sub3A_357 = arith.subf %mul3A_356, %select_n3A_351 : vector<1000x1xf32>
    %exp3A_358 = math.exp %sub3A_357 : vector<1000x1xf32>
    %exp3A_359 = math.exp %slice3A_338 : vector<1x2000xf32>
    %mul3A_360 = arith.constant 2.000000e-01 : f32
    %mul3A_361 = vector.broadcast %mul3A_360 : f32 to vector<1x2000xf32>
    %mul3A_362 = arith.mulf %mul3A_361, %slice3A_338 : vector<1x2000xf32>
    %exp3A_363 = math.exp %mul3A_362 : vector<1x2000xf32>
    %mul3A_364 = vector.broadcast %exp3A_353 : vector<1000x1xf32> to vector<1000x2000xf32>
    %mul3A_365 = vector.broadcast %exp3A_359 : vector<1x2000xf32> to vector<1000x2000xf32>
    %mul3A_366 = arith.mulf %mul3A_364, %mul3A_365 : vector<1000x2000xf32>
    %mul3A_367 = vector.broadcast %exp3A_358 : vector<1000x1xf32> to vector<1000x2000xf32>
    %mul3A_368 = vector.broadcast %exp3A_363 : vector<1x2000xf32> to vector<1000x2000xf32>
    %mul3A_369 = arith.mulf %mul3A_367, %mul3A_368 : vector<1000x2000xf32>
    %max3A_370 = arith.maximumf %mul3A_366, %mul3A_369 : vector<1000x2000xf32>
    %mul3A_371 = arith.mulf %get3A_1, %max3A_370 : vector<1000x2000xf32>
    %convert_element_type3A_372 = arith.truncf %mul3A_371 : vector<1000x2000xf32> to vector<1000x2000xbf16>
    %slice3A_373 = vector.extract_strided_slice %convert_element_type3A {offsets = [0, 64], sizes = [2000, 16], strides = [1, 1]} : vector<2000x129xbf16> to vector<2000x16xbf16>
    %slice3A_374 = vector.extract_strided_slice %convert_element_type3A {offsets = [0, 128], sizes = [2000, 1], strides = [1, 1]} : vector<2000x129xbf16> to vector<2000x1xbf16>
    %concatenate3A_375 = tpu.concatenate %slice3A_373, %slice3A_374 in 1 : vector<2000x16xbf16>, vector<2000x1xbf16> -> vector<2000x17xbf16>
    %dot_general3A_376 = arith.constant dense<0.000000e+00> : vector<1000x17xf32>
    %dot_general3A_377 = tpu.matmul %convert_element_type3A_372, %concatenate3A_375, %dot_general3A_376 {dimension_numbers = #tpu.dot_dimension_numbers<[1], [0], [0], [1], [0, 0, 1, 1], [], []>, transpose_lhs_hint = false} : vector<1000x2000xbf16>, vector<2000x17xbf16>, vector<1000x17xf32> -> vector<1000x17xf32>
    %slice3A_378 = vector.extract_strided_slice %dot_general3A_377 {offsets = [0, 0], sizes = [1000, 16], strides = [1, 1]} : vector<1000x17xf32> to vector<1000x16xf32>
    %slice3A_379 = vector.extract_strided_slice %dot_general3A_377 {offsets = [0, 16], sizes = [1000, 1], strides = [1, 1]} : vector<1000x17xf32> to vector<1000x1xf32>
    %add3A_380 = arith.constant 1.000000e-16 : f32
    %add3A_381 = vector.broadcast %add3A_380 : f32 to vector<1000x1xf32>
    %add3A_382 = arith.addf %slice3A_379, %add3A_381 : vector<1000x1xf32>
    %div3A_383 = vector.broadcast %add3A_382 : vector<1000x1xf32> to vector<1000x16xf32>
    %div3A_384 = arith.divf %slice3A_378, %div3A_383 : vector<1000x16xf32>
    %get3A_385 = arith.constant 0 : index
    %get3A_386 = arith.constant 64 : index
    %get3A_387 = vector.load %arg6[%get3A_385, %get3A_386] : memref<1x128xf32, #tpu.memory_space<vmem>>, vector<1x16xf32>
    %add3A_388 = vector.broadcast %get3A_387 : vector<1x16xf32> to vector<1000x16xf32>
    %add3A_389 = arith.addf %div3A_384, %add3A_388 : vector<1000x16xf32>
    %gt3A_390 = arith.constant 0.000000e+00 : f32
    %gt3A_391 = vector.broadcast %gt3A_390 : f32 to vector<1000x16xf32>
    %gt3A_392 = arith.cmpf ogt, %add3A_389, %gt3A_391 : vector<1000x16xf32>
    %min3A_393 = arith.constant 0.000000e+00 : f32
    %min3A_394 = vector.broadcast %min3A_393 : f32 to vector<1000x16xf32>
    %min3A_395 = arith.minimumf %add3A_389, %min3A_394 : vector<1000x16xf32>
    %exp3A_396 = math.exp %min3A_395 : vector<1000x16xf32>
    %sub3A_397 = arith.constant 1.000000e+00 : f32
    %sub3A_398 = vector.broadcast %sub3A_397 : f32 to vector<1000x16xf32>
    %sub3A_399 = arith.subf %exp3A_396, %sub3A_398 : vector<1000x16xf32>
    %select_n3A_400 = arith.select %gt3A_392, %add3A_389, %sub3A_399 : vector<1000x16xi1>, vector<1000x16xf32>
    %swap3A_401 = arith.constant 0 : index
    %swap3A_402 = arith.constant 64 : index
    %swap3A_403 = vector.load %arg7[%swap3A_401, %swap3A_402] : memref<1000x128xf32, #tpu.memory_space<vmem>>, vector<1000x16xf32>
    tpu.vector_store %arg7[%swap3A_401, %swap3A_402], %select_n3A_400 {strides = array<i32>} : memref<1000x128xf32, #tpu.memory_space<vmem>>, vector<1000x16xf32>,
    %slice3A_404 = vector.extract_strided_slice %dot_general3A_34 {offsets = [5, 0], sizes = [1, 2000], strides = [1, 1]} : vector<8x2000xf32> to vector<1x2000xf32>
    %slice3A_405 = vector.extract_strided_slice %dot_general3A_80 {offsets = [0, 5], sizes = [1000, 1], strides = [1, 1]} : vector<1000x8xf32> to vector<1000x1xf32>
    %reduce_max3A_406 = arith.constant dense<0xFF800000> : vector<1xf32>
    %reduce_max3A_407 = vector.multi_reduction <maximumf>, %slice3A_404, %reduce_max3A_406 [1] : vector<1x2000xf32> to vector<1xf32>
    %broadcast_in_dim3A_408 = vector.shape_cast %reduce_max3A_407 : vector<1xf32> to vector<1x1xf32>
    %add3A_409 = vector.broadcast %broadcast_in_dim3A_408 : vector<1x1xf32> to vector<1000x1xf32>
    %add3A_410 = arith.addf %slice3A_405, %add3A_409 : vector<1000x1xf32>
    %ge3A_411 = arith.constant 0.000000e+00 : f32
    %ge3A_412 = vector.broadcast %ge3A_411 : f32 to vector<1000x1xf32>
    %ge3A_413 = arith.cmpf oge, %add3A_410, %ge3A_412 : vector<1000x1xf32>
    %mul3A_414 = arith.constant 2.000000e-01 : f32
    %mul3A_415 = vector.broadcast %mul3A_414 : f32 to vector<1000x1xf32>
    %mul3A_416 = arith.mulf %mul3A_415, %add3A_410 : vector<1000x1xf32>
    %select_n3A_417 = arith.select %ge3A_413, %add3A_410, %mul3A_416 : vector<1000x1xi1>, vector<1000x1xf32>
    %sub3A_418 = arith.subf %slice3A_405, %select_n3A_417 : vector<1000x1xf32>
    %exp3A_419 = math.exp %sub3A_418 : vector<1000x1xf32>
    %mul3A_420 = arith.constant 2.000000e-01 : f32
    %mul3A_421 = vector.broadcast %mul3A_420 : f32 to vector<1000x1xf32>
    %mul3A_422 = arith.mulf %mul3A_421, %slice3A_405 : vector<1000x1xf32>
    %sub3A_423 = arith.subf %mul3A_422, %select_n3A_417 : vector<1000x1xf32>
    %exp3A_424 = math.exp %sub3A_423 : vector<1000x1xf32>
    %exp3A_425 = math.exp %slice3A_404 : vector<1x2000xf32>
    %mul3A_426 = arith.constant 2.000000e-01 : f32
    %mul3A_427 = vector.broadcast %mul3A_426 : f32 to vector<1x2000xf32>
    %mul3A_428 = arith.mulf %mul3A_427, %slice3A_404 : vector<1x2000xf32>
    %exp3A_429 = math.exp %mul3A_428 : vector<1x2000xf32>
    %mul3A_430 = vector.broadcast %exp3A_419 : vector<1000x1xf32> to vector<1000x2000xf32>
    %mul3A_431 = vector.broadcast %exp3A_425 : vector<1x2000xf32> to vector<1000x2000xf32>
    %mul3A_432 = arith.mulf %mul3A_430, %mul3A_431 : vector<1000x2000xf32>
    %mul3A_433 = vector.broadcast %exp3A_424 : vector<1000x1xf32> to vector<1000x2000xf32>
    %mul3A_434 = vector.broadcast %exp3A_429 : vector<1x2000xf32> to vector<1000x2000xf32>
    %mul3A_435 = arith.mulf %mul3A_433, %mul3A_434 : vector<1000x2000xf32>
    %max3A_436 = arith.maximumf %mul3A_432, %mul3A_435 : vector<1000x2000xf32>
    %mul3A_437 = arith.mulf %get3A_1, %max3A_436 : vector<1000x2000xf32>
    %convert_element_type3A_438 = arith.truncf %mul3A_437 : vector<1000x2000xf32> to vector<1000x2000xbf16>
    %slice3A_439 = vector.extract_strided_slice %convert_element_type3A {offsets = [0, 80], sizes = [2000, 16], strides = [1, 1]} : vector<2000x129xbf16> to vector<2000x16xbf16>
    %slice3A_440 = vector.extract_strided_slice %convert_element_type3A {offsets = [0, 128], sizes = [2000, 1], strides = [1, 1]} : vector<2000x129xbf16> to vector<2000x1xbf16>
    %concatenate3A_441 = tpu.concatenate %slice3A_439, %slice3A_440 in 1 : vector<2000x16xbf16>, vector<2000x1xbf16> -> vector<2000x17xbf16>
    %dot_general3A_442 = arith.constant dense<0.000000e+00> : vector<1000x17xf32>
    %dot_general3A_443 = tpu.matmul %convert_element_type3A_438, %concatenate3A_441, %dot_general3A_442 {dimension_numbers = #tpu.dot_dimension_numbers<[1], [0], [0], [1], [0, 0, 1, 1], [], []>, transpose_lhs_hint = false} : vector<1000x2000xbf16>, vector<2000x17xbf16>, vector<1000x17xf32> -> vector<1000x17xf32>
    %slice3A_444 = vector.extract_strided_slice %dot_general3A_443 {offsets = [0, 0], sizes = [1000, 16], strides = [1, 1]} : vector<1000x17xf32> to vector<1000x16xf32>
    %slice3A_445 = vector.extract_strided_slice %dot_general3A_443 {offsets = [0, 16], sizes = [1000, 1], strides = [1, 1]} : vector<1000x17xf32> to vector<1000x1xf32>
    %add3A_446 = arith.constant 1.000000e-16 : f32
    %add3A_447 = vector.broadcast %add3A_446 : f32 to vector<1000x1xf32>
    %add3A_448 = arith.addf %slice3A_445, %add3A_447 : vector<1000x1xf32>
    %div3A_449 = vector.broadcast %add3A_448 : vector<1000x1xf32> to vector<1000x16xf32>
    %div3A_450 = arith.divf %slice3A_444, %div3A_449 : vector<1000x16xf32>
    %get3A_451 = arith.constant 0 : index
    %get3A_452 = arith.constant 80 : index
    %get3A_453 = vector.load %arg6[%get3A_451, %get3A_452] : memref<1x128xf32, #tpu.memory_space<vmem>>, vector<1x16xf32>
    %add3A_454 = vector.broadcast %get3A_453 : vector<1x16xf32> to vector<1000x16xf32>
    %add3A_455 = arith.addf %div3A_450, %add3A_454 : vector<1000x16xf32>
    %gt3A_456 = arith.constant 0.000000e+00 : f32
    %gt3A_457 = vector.broadcast %gt3A_456 : f32 to vector<1000x16xf32>
    %gt3A_458 = arith.cmpf ogt, %add3A_455, %gt3A_457 : vector<1000x16xf32>
    %min3A_459 = arith.constant 0.000000e+00 : f32
    %min3A_460 = vector.broadcast %min3A_459 : f32 to vector<1000x16xf32>
    %min3A_461 = arith.minimumf %add3A_455, %min3A_460 : vector<1000x16xf32>
    %exp3A_462 = math.exp %min3A_461 : vector<1000x16xf32>
    %sub3A_463 = arith.constant 1.000000e+00 : f32
    %sub3A_464 = vector.broadcast %sub3A_463 : f32 to vector<1000x16xf32>
    %sub3A_465 = arith.subf %exp3A_462, %sub3A_464 : vector<1000x16xf32>
    %select_n3A_466 = arith.select %gt3A_458, %add3A_455, %sub3A_465 : vector<1000x16xi1>, vector<1000x16xf32>
    %swap3A_467 = arith.constant 0 : index
    %swap3A_468 = arith.constant 80 : index
    %swap3A_469 = vector.load %arg7[%swap3A_467, %swap3A_468] : memref<1000x128xf32, #tpu.memory_space<vmem>>, vector<1000x16xf32>
    tpu.vector_store %arg7[%swap3A_467, %swap3A_468], %select_n3A_466 {strides = array<i32>} : memref<1000x128xf32, #tpu.memory_space<vmem>>, vector<1000x16xf32>,
    %slice3A_470 = vector.extract_strided_slice %dot_general3A_34 {offsets = [6, 0], sizes = [1, 2000], strides = [1, 1]} : vector<8x2000xf32> to vector<1x2000xf32>
    %slice3A_471 = vector.extract_strided_slice %dot_general3A_80 {offsets = [0, 6], sizes = [1000, 1], strides = [1, 1]} : vector<1000x8xf32> to vector<1000x1xf32>
    %reduce_max3A_472 = arith.constant dense<0xFF800000> : vector<1xf32>
    %reduce_max3A_473 = vector.multi_reduction <maximumf>, %slice3A_470, %reduce_max3A_472 [1] : vector<1x2000xf32> to vector<1xf32>
    %broadcast_in_dim3A_474 = vector.shape_cast %reduce_max3A_473 : vector<1xf32> to vector<1x1xf32>
    %add3A_475 = vector.broadcast %broadcast_in_dim3A_474 : vector<1x1xf32> to vector<1000x1xf32>
    %add3A_476 = arith.addf %slice3A_471, %add3A_475 : vector<1000x1xf32>
    %ge3A_477 = arith.constant 0.000000e+00 : f32
    %ge3A_478 = vector.broadcast %ge3A_477 : f32 to vector<1000x1xf32>
    %ge3A_479 = arith.cmpf oge, %add3A_476, %ge3A_478 : vector<1000x1xf32>
    %mul3A_480 = arith.constant 2.000000e-01 : f32
    %mul3A_481 = vector.broadcast %mul3A_480 : f32 to vector<1000x1xf32>
    %mul3A_482 = arith.mulf %mul3A_481, %add3A_476 : vector<1000x1xf32>
    %select_n3A_483 = arith.select %ge3A_479, %add3A_476, %mul3A_482 : vector<1000x1xi1>, vector<1000x1xf32>
    %sub3A_484 = arith.subf %slice3A_471, %select_n3A_483 : vector<1000x1xf32>
    %exp3A_485 = math.exp %sub3A_484 : vector<1000x1xf32>
    %mul3A_486 = arith.constant 2.000000e-01 : f32
    %mul3A_487 = vector.broadcast %mul3A_486 : f32 to vector<1000x1xf32>
    %mul3A_488 = arith.mulf %mul3A_487, %slice3A_471 : vector<1000x1xf32>
    %sub3A_489 = arith.subf %mul3A_488, %select_n3A_483 : vector<1000x1xf32>
    %exp3A_490 = math.exp %sub3A_489 : vector<1000x1xf32>
    %exp3A_491 = math.exp %slice3A_470 : vector<1x2000xf32>
    %mul3A_492 = arith.constant 2.000000e-01 : f32
    %mul3A_493 = vector.broadcast %mul3A_492 : f32 to vector<1x2000xf32>
    %mul3A_494 = arith.mulf %mul3A_493, %slice3A_470 : vector<1x2000xf32>
    %exp3A_495 = math.exp %mul3A_494 : vector<1x2000xf32>
    %mul3A_496 = vector.broadcast %exp3A_485 : vector<1000x1xf32> to vector<1000x2000xf32>
    %mul3A_497 = vector.broadcast %exp3A_491 : vector<1x2000xf32> to vector<1000x2000xf32>
    %mul3A_498 = arith.mulf %mul3A_496, %mul3A_497 : vector<1000x2000xf32>
    %mul3A_499 = vector.broadcast %exp3A_490 : vector<1000x1xf32> to vector<1000x2000xf32>
    %mul3A_500 = vector.broadcast %exp3A_495 : vector<1x2000xf32> to vector<1000x2000xf32>
    %mul3A_501 = arith.mulf %mul3A_499, %mul3A_500 : vector<1000x2000xf32>
    %max3A_502 = arith.maximumf %mul3A_498, %mul3A_501 : vector<1000x2000xf32>
    %mul3A_503 = arith.mulf %get3A_1, %max3A_502 : vector<1000x2000xf32>
    %convert_element_type3A_504 = arith.truncf %mul3A_503 : vector<1000x2000xf32> to vector<1000x2000xbf16>
    %slice3A_505 = vector.extract_strided_slice %convert_element_type3A {offsets = [0, 96], sizes = [2000, 16], strides = [1, 1]} : vector<2000x129xbf16> to vector<2000x16xbf16>
    %slice3A_506 = vector.extract_strided_slice %convert_element_type3A {offsets = [0, 128], sizes = [2000, 1], strides = [1, 1]} : vector<2000x129xbf16> to vector<2000x1xbf16>
    %concatenate3A_507 = tpu.concatenate %slice3A_505, %slice3A_506 in 1 : vector<2000x16xbf16>, vector<2000x1xbf16> -> vector<2000x17xbf16>
    %dot_general3A_508 = arith.constant dense<0.000000e+00> : vector<1000x17xf32>
    %dot_general3A_509 = tpu.matmul %convert_element_type3A_504, %concatenate3A_507, %dot_general3A_508 {dimension_numbers = #tpu.dot_dimension_numbers<[1], [0], [0], [1], [0, 0, 1, 1], [], []>, transpose_lhs_hint = false} : vector<1000x2000xbf16>, vector<2000x17xbf16>, vector<1000x17xf32> -> vector<1000x17xf32>
    %slice3A_510 = vector.extract_strided_slice %dot_general3A_509 {offsets = [0, 0], sizes = [1000, 16], strides = [1, 1]} : vector<1000x17xf32> to vector<1000x16xf32>
    %slice3A_511 = vector.extract_strided_slice %dot_general3A_509 {offsets = [0, 16], sizes = [1000, 1], strides = [1, 1]} : vector<1000x17xf32> to vector<1000x1xf32>
    %add3A_512 = arith.constant 1.000000e-16 : f32
    %add3A_513 = vector.broadcast %add3A_512 : f32 to vector<1000x1xf32>
    %add3A_514 = arith.addf %slice3A_511, %add3A_513 : vector<1000x1xf32>
    %div3A_515 = vector.broadcast %add3A_514 : vector<1000x1xf32> to vector<1000x16xf32>
    %div3A_516 = arith.divf %slice3A_510, %div3A_515 : vector<1000x16xf32>
    %get3A_517 = arith.constant 0 : index
    %get3A_518 = arith.constant 96 : index
    %get3A_519 = vector.load %arg6[%get3A_517, %get3A_518] : memref<1x128xf32, #tpu.memory_space<vmem>>, vector<1x16xf32>
    %add3A_520 = vector.broadcast %get3A_519 : vector<1x16xf32> to vector<1000x16xf32>
    %add3A_521 = arith.addf %div3A_516, %add3A_520 : vector<1000x16xf32>
    %gt3A_522 = arith.constant 0.000000e+00 : f32
    %gt3A_523 = vector.broadcast %gt3A_522 : f32 to vector<1000x16xf32>
    %gt3A_524 = arith.cmpf ogt, %add3A_521, %gt3A_523 : vector<1000x16xf32>
    %min3A_525 = arith.constant 0.000000e+00 : f32
    %min3A_526 = vector.broadcast %min3A_525 : f32 to vector<1000x16xf32>
    %min3A_527 = arith.minimumf %add3A_521, %min3A_526 : vector<1000x16xf32>
    %exp3A_528 = math.exp %min3A_527 : vector<1000x16xf32>
    %sub3A_529 = arith.constant 1.000000e+00 : f32
    %sub3A_530 = vector.broadcast %sub3A_529 : f32 to vector<1000x16xf32>
    %sub3A_531 = arith.subf %exp3A_528, %sub3A_530 : vector<1000x16xf32>
    %select_n3A_532 = arith.select %gt3A_524, %add3A_521, %sub3A_531 : vector<1000x16xi1>, vector<1000x16xf32>
    %swap3A_533 = arith.constant 0 : index
    %swap3A_534 = arith.constant 96 : index
    %swap3A_535 = vector.load %arg7[%swap3A_533, %swap3A_534] : memref<1000x128xf32, #tpu.memory_space<vmem>>, vector<1000x16xf32>
    tpu.vector_store %arg7[%swap3A_533, %swap3A_534], %select_n3A_532 {strides = array<i32>} : memref<1000x128xf32, #tpu.memory_space<vmem>>, vector<1000x16xf32>,
    %slice3A_536 = vector.extract_strided_slice %dot_general3A_34 {offsets = [7, 0], sizes = [1, 2000], strides = [1, 1]} : vector<8x2000xf32> to vector<1x2000xf32>
    %slice3A_537 = vector.extract_strided_slice %dot_general3A_80 {offsets = [0, 7], sizes = [1000, 1], strides = [1, 1]} : vector<1000x8xf32> to vector<1000x1xf32>
    %reduce_max3A_538 = arith.constant dense<0xFF800000> : vector<1xf32>
    %reduce_max3A_539 = vector.multi_reduction <maximumf>, %slice3A_536, %reduce_max3A_538 [1] : vector<1x2000xf32> to vector<1xf32>
    %broadcast_in_dim3A_540 = vector.shape_cast %reduce_max3A_539 : vector<1xf32> to vector<1x1xf32>
    %add3A_541 = vector.broadcast %broadcast_in_dim3A_540 : vector<1x1xf32> to vector<1000x1xf32>
    %add3A_542 = arith.addf %slice3A_537, %add3A_541 : vector<1000x1xf32>
    %ge3A_543 = arith.constant 0.000000e+00 : f32
    %ge3A_544 = vector.broadcast %ge3A_543 : f32 to vector<1000x1xf32>
    %ge3A_545 = arith.cmpf oge, %add3A_542, %ge3A_544 : vector<1000x1xf32>
    %mul3A_546 = arith.constant 2.000000e-01 : f32
    %mul3A_547 = vector.broadcast %mul3A_546 : f32 to vector<1000x1xf32>
    %mul3A_548 = arith.mulf %mul3A_547, %add3A_542 : vector<1000x1xf32>
    %select_n3A_549 = arith.select %ge3A_545, %add3A_542, %mul3A_548 : vector<1000x1xi1>, vector<1000x1xf32>
    %sub3A_550 = arith.subf %slice3A_537, %select_n3A_549 : vector<1000x1xf32>
    %exp3A_551 = math.exp %sub3A_550 : vector<1000x1xf32>
    %mul3A_552 = arith.constant 2.000000e-01 : f32
    %mul3A_553 = vector.broadcast %mul3A_552 : f32 to vector<1000x1xf32>
    %mul3A_554 = arith.mulf %mul3A_553, %slice3A_537 : vector<1000x1xf32>
    %sub3A_555 = arith.subf %mul3A_554, %select_n3A_549 : vector<1000x1xf32>
    %exp3A_556 = math.exp %sub3A_555 : vector<1000x1xf32>
    %exp3A_557 = math.exp %slice3A_536 : vector<1x2000xf32>
    %mul3A_558 = arith.constant 2.000000e-01 : f32
    %mul3A_559 = vector.broadcast %mul3A_558 : f32 to vector<1x2000xf32>
    %mul3A_560 = arith.mulf %mul3A_559, %slice3A_536 : vector<1x2000xf32>
    %exp3A_561 = math.exp %mul3A_560 : vector<1x2000xf32>
    %mul3A_562 = vector.broadcast %exp3A_551 : vector<1000x1xf32> to vector<1000x2000xf32>
    %mul3A_563 = vector.broadcast %exp3A_557 : vector<1x2000xf32> to vector<1000x2000xf32>
    %mul3A_564 = arith.mulf %mul3A_562, %mul3A_563 : vector<1000x2000xf32>
    %mul3A_565 = vector.broadcast %exp3A_556 : vector<1000x1xf32> to vector<1000x2000xf32>
    %mul3A_566 = vector.broadcast %exp3A_561 : vector<1x2000xf32> to vector<1000x2000xf32>
    %mul3A_567 = arith.mulf %mul3A_565, %mul3A_566 : vector<1000x2000xf32>
    %max3A_568 = arith.maximumf %mul3A_564, %mul3A_567 : vector<1000x2000xf32>
    %mul3A_569 = arith.mulf %get3A_1, %max3A_568 : vector<1000x2000xf32>
    %convert_element_type3A_570 = arith.truncf %mul3A_569 : vector<1000x2000xf32> to vector<1000x2000xbf16>
    %slice3A_571 = vector.extract_strided_slice %convert_element_type3A {offsets = [0, 112], sizes = [2000, 16], strides = [1, 1]} : vector<2000x129xbf16> to vector<2000x16xbf16>
    %slice3A_572 = vector.extract_strided_slice %convert_element_type3A {offsets = [0, 128], sizes = [2000, 1], strides = [1, 1]} : vector<2000x129xbf16> to vector<2000x1xbf16>
    %concatenate3A_573 = tpu.concatenate %slice3A_571, %slice3A_572 in 1 : vector<2000x16xbf16>, vector<2000x1xbf16> -> vector<2000x17xbf16>
    %dot_general3A_574 = arith.constant dense<0.000000e+00> : vector<1000x17xf32>
    %dot_general3A_575 = tpu.matmul %convert_element_type3A_570, %concatenate3A_573, %dot_general3A_574 {dimension_numbers = #tpu.dot_dimension_numbers<[1], [0], [0], [1], [0, 0, 1, 1], [], []>, transpose_lhs_hint = false} : vector<1000x2000xbf16>, vector<2000x17xbf16>, vector<1000x17xf32> -> vector<1000x17xf32>
    %slice3A_576 = vector.extract_strided_slice %dot_general3A_575 {offsets = [0, 0], sizes = [1000, 16], strides = [1, 1]} : vector<1000x17xf32> to vector<1000x16xf32>
    %slice3A_577 = vector.extract_strided_slice %dot_general3A_575 {offsets = [0, 16], sizes = [1000, 1], strides = [1, 1]} : vector<1000x17xf32> to vector<1000x1xf32>
    %add3A_578 = arith.constant 1.000000e-16 : f32
    %add3A_579 = vector.broadcast %add3A_578 : f32 to vector<1000x1xf32>
    %add3A_580 = arith.addf %slice3A_577, %add3A_579 : vector<1000x1xf32>
    %div3A_581 = vector.broadcast %add3A_580 : vector<1000x1xf32> to vector<1000x16xf32>
    %div3A_582 = arith.divf %slice3A_576, %div3A_581 : vector<1000x16xf32>
    %get3A_583 = arith.constant 0 : index
    %get3A_584 = arith.constant 112 : index
    %get3A_585 = vector.load %arg6[%get3A_583, %get3A_584] : memref<1x128xf32, #tpu.memory_space<vmem>>, vector<1x16xf32>
    %add3A_586 = vector.broadcast %get3A_585 : vector<1x16xf32> to vector<1000x16xf32>
    %add3A_587 = arith.addf %div3A_582, %add3A_586 : vector<1000x16xf32>
    %gt3A_588 = arith.constant 0.000000e+00 : f32
    %gt3A_589 = vector.broadcast %gt3A_588 : f32 to vector<1000x16xf32>
    %gt3A_590 = arith.cmpf ogt, %add3A_587, %gt3A_589 : vector<1000x16xf32>
    %min3A_591 = arith.constant 0.000000e+00 : f32
    %min3A_592 = vector.broadcast %min3A_591 : f32 to vector<1000x16xf32>
    %min3A_593 = arith.minimumf %add3A_587, %min3A_592 : vector<1000x16xf32>
    %exp3A_594 = math.exp %min3A_593 : vector<1000x16xf32>
    %sub3A_595 = arith.constant 1.000000e+00 : f32
    %sub3A_596 = vector.broadcast %sub3A_595 : f32 to vector<1000x16xf32>
    %sub3A_597 = arith.subf %exp3A_594, %sub3A_596 : vector<1000x16xf32>
    %select_n3A_598 = arith.select %gt3A_590, %add3A_587, %sub3A_597 : vector<1000x16xi1>, vector<1000x16xf32>
    %swap3A_599 = arith.constant 0 : index
    %swap3A_600 = arith.constant 112 : index
    %swap3A_601 = vector.load %arg7[%swap3A_599, %swap3A_600] : memref<1000x128xf32, #tpu.memory_space<vmem>>, vector<1000x16xf32>
    tpu.vector_store %arg7[%swap3A_599, %swap3A_600], %select_n3A_598 {strides = array<i32>} : memref<1000x128xf32, #tpu.memory_space<vmem>>, vector<1000x16xf32>,
    return
  }
  func.func @transform_0(%arg0: i32) -> (i32, i32) {
    %c0_i32 = arith.constant 0 : i32
    %c0_i32_0 = arith.constant 0 : i32
    return %arg0, %c0_i32 : i32, i32
  }
  func.func @transform_1(%arg0: i32) -> (i32, i32) {
    %c0_i32 = arith.constant 0 : i32
    %c0_i32_0 = arith.constant 0 : i32
    %c0_i32_1 = arith.constant 0 : i32
    return %c0_i32, %c0_i32_0 : i32, i32
  }
  func.func @transform_2(%arg0: i32) -> (i32, i32) {
    %c0_i32 = arith.constant 0 : i32
    %c0_i32_0 = arith.constant 0 : i32
    return %arg0, %c0_i32 : i32, i32
  }
  func.func @transform_3(%arg0: i32) -> (i32, i32) {
    %c0_i32 = arith.constant 0 : i32
    %c0_i32_0 = arith.constant 0 : i32
    %c0_i32_1 = arith.constant 0 : i32
    return %c0_i32, %c0_i32_0 : i32, i32
  }
  func.func @transform_4(%arg0: i32) -> (i32, i32) {
    %c0_i32 = arith.constant 0 : i32
    %c0_i32_0 = arith.constant 0 : i32
    %c0_i32_1 = arith.constant 0 : i32
    return %c0_i32, %c0_i32_0 : i32, i32
  }
  func.func @transform_5(%arg0: i32) -> (i32, i32) {
    %c0_i32 = arith.constant 0 : i32
    %c0_i32_0 = arith.constant 0 : i32
    %c0_i32_1 = arith.constant 0 : i32
    return %c0_i32, %c0_i32_0 : i32, i32
  }
  func.func @transform_6(%arg0: i32) -> (i32, i32) {
    %c0_i32 = arith.constant 0 : i32
    %c0_i32_0 = arith.constant 0 : i32
    return %arg0, %c0_i32 : i32, i32
  }
}

module attributes {stable_mosaic.version = 14 : i64} {
  func.func @_attn2_body(%arg0: i32, %arg1: memref<1000x2000xf32, #tpu.memory_space<vmem>>, %arg2: memref<2000x128xf32, #tpu.memory_space<vmem>>, %arg3: memref<1000x128xf32, #tpu.memory_space<vmem>>, %arg4: memref<128x2000xf32, #tpu.memory_space<vmem>>, %arg5: memref<2x2000xf32, #tpu.memory_space<vmem>>, %arg6: memref<1x2000xf32, #tpu.memory_space<vmem>>, %arg7: memref<1000x2000xf32, #tpu.memory_space<vmem>>) attributes {dimension_semantics = [#tpu.dimension_semantics<arbitrary>], iteration_bounds = array<i64: 2>, scalar_prefetch = 0 : i64, scratch_operands = 0 : i64, tpu.core_type = #tpu.core_type<tc>, window_params = [{transform_indices = @transform_0, window_bounds = array<i64: 1000, 2000>}, {pipeline_mode = #tpu.pipeline_mode<synchronous>, transform_indices = @transform_1, window_bounds = array<i64: 2000, 128>}, {transform_indices = @transform_2, window_bounds = array<i64: 1000, 128>}, {pipeline_mode = #tpu.pipeline_mode<synchronous>, transform_indices = @transform_3, window_bounds = array<i64: 128, 2000>}, {pipeline_mode = #tpu.pipeline_mode<synchronous>, transform_indices = @transform_4, window_bounds = array<i64: 2, 2000>}, {pipeline_mode = #tpu.pipeline_mode<synchronous>, transform_indices = @transform_5, window_bounds = array<i64: 1, 2000>}, {transform_indices = @transform_6, window_bounds = array<i64: 1000, 2000>}]} {
    %get3A = arith.constant 0 : index
    %get3A_0 = arith.constant 0 : index
    %get3A_1 = vector.load %arg1[%get3A, %get3A_0] : memref<1000x2000xf32, #tpu.memory_space<vmem>>, vector<1000x2000xf32>
    %get3A_2 = arith.constant 0 : index
    %get3A_3 = arith.constant 0 : index
    %get3A_4 = vector.load %arg2[%get3A_2, %get3A_3] : memref<2000x128xf32, #tpu.memory_space<vmem>>, vector<2000x128xf32>
    %get3A_5 = arith.constant 0 : index
    %get3A_6 = arith.constant 0 : index
    %get3A_7 = vector.load %arg4[%get3A_5, %get3A_6] : memref<128x2000xf32, #tpu.memory_space<vmem>>, vector<128x2000xf32>
    %get3A_8 = arith.constant 0 : index
    %get3A_9 = arith.constant 0 : index
    %get3A_10 = vector.load %arg5[%get3A_8, %get3A_9] : memref<2x2000xf32, #tpu.memory_space<vmem>>, vector<2x2000xf32>
    %dot_general3A = arith.constant dense<0.000000e+00> : vector<128x2xf32>
    %dot_general3A_11 = tpu.matmul %get3A_7, %get3A_10, %dot_general3A {dimension_numbers = #tpu.dot_dimension_numbers<[1], [1], [0], [0], [0, 0, 1, 0], [], []>, transpose_lhs_hint = false} : vector<128x2000xf32>, vector<2x2000xf32>, vector<128x2xf32> -> vector<128x2xf32>
    %slice3A = vector.extract_strided_slice %dot_general3A_11 {offsets = [0, 0], sizes = [128, 1], strides = [1, 1]} : vector<128x2xf32> to vector<128x1xf32>
    %dot_general3A_12 = arith.constant dense<0.000000e+00> : vector<1x2000xf32>
    %dot_general3A_13 = tpu.matmul %slice3A, %get3A_4, %dot_general3A_12 {dimension_numbers = #tpu.dot_dimension_numbers<[0], [1], [1], [0], [0, 1, 1, 0], [], []>, transpose_lhs_hint = false} : vector<128x1xf32>, vector<2000x128xf32>, vector<1x2000xf32> -> vector<1x2000xf32>
    %get3A_14 = arith.constant 0 : index
    %get3A_15 = arith.constant 0 : index
    %get3A_16 = vector.load %arg3[%get3A_14, %get3A_15] : memref<1000x128xf32, #tpu.memory_space<vmem>>, vector<1000x128xf32>
    %slice3A_17 = vector.extract_strided_slice %dot_general3A_11 {offsets = [0, 1], sizes = [128, 1], strides = [1, 1]} : vector<128x2xf32> to vector<128x1xf32>
    %dot_general3A_18 = arith.constant dense<0.000000e+00> : vector<1000x1xf32>
    %dot_general3A_19 = tpu.matmul %get3A_16, %slice3A_17, %dot_general3A_18 {dimension_numbers = #tpu.dot_dimension_numbers<[1], [0], [0], [1], [0, 0, 1, 1], [], []>, transpose_lhs_hint = false} : vector<1000x128xf32>, vector<128x1xf32>, vector<1000x1xf32> -> vector<1000x1xf32>
    %reduce_max3A = arith.constant dense<0xFF800000> : vector<1xf32>
    %reduce_max3A_20 = vector.multi_reduction <maximumf>, %dot_general3A_13, %reduce_max3A [1] : vector<1x2000xf32> to vector<1xf32>
    %broadcast_in_dim3A = vector.shape_cast %reduce_max3A_20 : vector<1xf32> to vector<1x1xf32>
    %add3A = vector.broadcast %broadcast_in_dim3A : vector<1x1xf32> to vector<1000x1xf32>
    %add3A_21 = arith.addf %dot_general3A_19, %add3A : vector<1000x1xf32>
    %ge3A = arith.constant 0.000000e+00 : f32
    %ge3A_22 = vector.broadcast %ge3A : f32 to vector<1000x1xf32>
    %ge3A_23 = arith.cmpf oge, %add3A_21, %ge3A_22 : vector<1000x1xf32>
    %mul3A = arith.constant 2.000000e-01 : f32
    %mul3A_24 = vector.broadcast %mul3A : f32 to vector<1000x1xf32>
    %mul3A_25 = arith.mulf %mul3A_24, %add3A_21 : vector<1000x1xf32>
    %select_n3A = arith.select %ge3A_23, %add3A_21, %mul3A_25 : vector<1000x1xi1>, vector<1000x1xf32>
    %sub3A = arith.subf %dot_general3A_19, %select_n3A : vector<1000x1xf32>
    %exp3A = math.exp %sub3A : vector<1000x1xf32>
    %mul3A_26 = arith.constant 2.000000e-01 : f32
    %mul3A_27 = vector.broadcast %mul3A_26 : f32 to vector<1000x1xf32>
    %mul3A_28 = arith.mulf %mul3A_27, %dot_general3A_19 : vector<1000x1xf32>
    %sub3A_29 = arith.subf %mul3A_28, %select_n3A : vector<1000x1xf32>
    %exp3A_30 = math.exp %sub3A_29 : vector<1000x1xf32>
    %exp3A_31 = math.exp %dot_general3A_13 : vector<1x2000xf32>
    %mul3A_32 = arith.constant 2.000000e-01 : f32
    %mul3A_33 = vector.broadcast %mul3A_32 : f32 to vector<1x2000xf32>
    %mul3A_34 = arith.mulf %mul3A_33, %dot_general3A_13 : vector<1x2000xf32>
    %exp3A_35 = math.exp %mul3A_34 : vector<1x2000xf32>
    %mul3A_36 = vector.broadcast %exp3A : vector<1000x1xf32> to vector<1000x2000xf32>
    %mul3A_37 = vector.broadcast %exp3A_31 : vector<1x2000xf32> to vector<1000x2000xf32>
    %mul3A_38 = arith.mulf %mul3A_36, %mul3A_37 : vector<1000x2000xf32>
    %mul3A_39 = vector.broadcast %exp3A_30 : vector<1000x1xf32> to vector<1000x2000xf32>
    %mul3A_40 = vector.broadcast %exp3A_35 : vector<1x2000xf32> to vector<1000x2000xf32>
    %mul3A_41 = arith.mulf %mul3A_39, %mul3A_40 : vector<1000x2000xf32>
    %max3A = arith.maximumf %mul3A_38, %mul3A_41 : vector<1000x2000xf32>
    %mul3A_42 = arith.mulf %get3A_1, %max3A : vector<1000x2000xf32>
    %convert_element_type3A = arith.truncf %mul3A_42 : vector<1000x2000xf32> to vector<1000x2000xbf16>
    %broadcast_in_dim3A_43 = arith.constant 1.000000e+00 : f32
    %broadcast_in_dim3A_44 = vector.broadcast %broadcast_in_dim3A_43 : f32 to vector<2000x1xf32>
    %concatenate3A = tpu.concatenate %get3A_4, %broadcast_in_dim3A_44 in 1 : vector<2000x128xf32>, vector<2000x1xf32> -> vector<2000x129xf32>
    %convert_element_type3A_45 = arith.truncf %concatenate3A : vector<2000x129xf32> to vector<2000x129xbf16>
    %dot_general3A_46 = arith.constant dense<0.000000e+00> : vector<1000x129xf32>
    %dot_general3A_47 = tpu.matmul %convert_element_type3A, %convert_element_type3A_45, %dot_general3A_46 {dimension_numbers = #tpu.dot_dimension_numbers<[1], [0], [0], [1], [0, 0, 1, 1], [], []>, transpose_lhs_hint = false} : vector<1000x2000xbf16>, vector<2000x129xbf16>, vector<1000x129xf32> -> vector<1000x129xf32>
    %slice3A_48 = vector.extract_strided_slice %dot_general3A_47 {offsets = [0, 0], sizes = [1000, 128], strides = [1, 1]} : vector<1000x129xf32> to vector<1000x128xf32>
    %slice3A_49 = vector.extract_strided_slice %dot_general3A_47 {offsets = [0, 128], sizes = [1000, 1], strides = [1, 1]} : vector<1000x129xf32> to vector<1000x1xf32>
    %add3A_50 = arith.constant 1.000000e-16 : f32
    %add3A_51 = vector.broadcast %add3A_50 : f32 to vector<1000x1xf32>
    %add3A_52 = arith.addf %slice3A_49, %add3A_51 : vector<1000x1xf32>
    %div3A = vector.broadcast %add3A_52 : vector<1000x1xf32> to vector<1000x128xf32>
    %div3A_53 = arith.divf %slice3A_48, %div3A : vector<1000x128xf32>
    %get3A_54 = arith.constant 0 : index
    %get3A_55 = arith.constant 0 : index
    %get3A_56 = vector.load %arg4[%get3A_54, %get3A_55] : memref<128x2000xf32, #tpu.memory_space<vmem>>, vector<128x2000xf32>
    %dot_general3A_57 = arith.constant dense<0.000000e+00> : vector<1000x2000xf32>
    %dot_general3A_58 = tpu.matmul %div3A_53, %get3A_56, %dot_general3A_57 {dimension_numbers = #tpu.dot_dimension_numbers<[1], [0], [0], [1], [0, 0, 1, 1], [], []>, transpose_lhs_hint = false} : vector<1000x128xf32>, vector<128x2000xf32>, vector<1000x2000xf32> -> vector<1000x2000xf32>
    %get3A_59 = arith.constant 0 : index
    %get3A_60 = arith.constant 0 : index
    %get3A_61 = vector.load %arg6[%get3A_59, %get3A_60] : memref<1x2000xf32, #tpu.memory_space<vmem>>, vector<1x2000xf32>
    %add3A_62 = vector.broadcast %get3A_61 : vector<1x2000xf32> to vector<1000x2000xf32>
    %add3A_63 = arith.addf %dot_general3A_58, %add3A_62 : vector<1000x2000xf32>
    %reduce_max3A_64 = arith.constant dense<0xFF800000> : vector<1000xf32>
    %reduce_max3A_65 = vector.multi_reduction <maximumf>, %add3A_63, %reduce_max3A_64 [1] : vector<1000x2000xf32> to vector<1000xf32>
    %broadcast_in_dim3A_66 = vector.shape_cast %reduce_max3A_65 : vector<1000xf32> to vector<1000x1xf32>
    %sub3A_67 = vector.broadcast %broadcast_in_dim3A_66 : vector<1000x1xf32> to vector<1000x2000xf32>
    %sub3A_68 = arith.subf %add3A_63, %sub3A_67 : vector<1000x2000xf32>
    %exp3A_69 = math.exp %sub3A_68 : vector<1000x2000xf32>
    %reduce_sum3A = arith.constant dense<0.000000e+00> : vector<1000xf32>
    %reduce_sum3A_70 = vector.multi_reduction <add>, %exp3A_69, %reduce_sum3A [1] : vector<1000x2000xf32> to vector<1000xf32>
    %broadcast_in_dim3A_71 = vector.shape_cast %reduce_sum3A_70 : vector<1000xf32> to vector<1000x1xf32>
    %log3A = math.log %broadcast_in_dim3A_71 : vector<1000x1xf32>
    %sub3A_72 = vector.broadcast %log3A : vector<1000x1xf32> to vector<1000x2000xf32>
    %sub3A_73 = arith.subf %sub3A_68, %sub3A_72 : vector<1000x2000xf32>
    %swap3A = arith.constant 0 : index
    %swap3A_74 = arith.constant 0 : index
    %swap3A_75 = vector.load %arg7[%swap3A, %swap3A_74] : memref<1000x2000xf32, #tpu.memory_space<vmem>>, vector<1000x2000xf32>
    tpu.vector_store %arg7[%swap3A, %swap3A_74], %sub3A_73 {strides = array<i32>} : memref<1000x2000xf32, #tpu.memory_space<vmem>>, vector<1000x2000xf32>,
    return
  }
  func.func @transform_0(%arg0: i32) -> (i32, i32) {
    %c0_i32 = arith.constant 0 : i32
    %c0_i32_0 = arith.constant 0 : i32
    return %arg0, %c0_i32 : i32, i32
  }
  func.func @transform_1(%arg0: i32) -> (i32, i32) {
    %c0_i32 = arith.constant 0 : i32
    %c0_i32_0 = arith.constant 0 : i32
    %c0_i32_1 = arith.constant 0 : i32
    return %c0_i32, %c0_i32_0 : i32, i32
  }
  func.func @transform_2(%arg0: i32) -> (i32, i32) {
    %c0_i32 = arith.constant 0 : i32
    %c0_i32_0 = arith.constant 0 : i32
    return %arg0, %c0_i32 : i32, i32
  }
  func.func @transform_3(%arg0: i32) -> (i32, i32) {
    %c0_i32 = arith.constant 0 : i32
    %c0_i32_0 = arith.constant 0 : i32
    %c0_i32_1 = arith.constant 0 : i32
    return %c0_i32, %c0_i32_0 : i32, i32
  }
  func.func @transform_4(%arg0: i32) -> (i32, i32) {
    %c0_i32 = arith.constant 0 : i32
    %c0_i32_0 = arith.constant 0 : i32
    %c0_i32_1 = arith.constant 0 : i32
    return %c0_i32, %c0_i32_0 : i32, i32
  }
  func.func @transform_5(%arg0: i32) -> (i32, i32) {
    %c0_i32 = arith.constant 0 : i32
    %c0_i32_0 = arith.constant 0 : i32
    %c0_i32_1 = arith.constant 0 : i32
    return %c0_i32, %c0_i32_0 : i32, i32
  }
  func.func @transform_6(%arg0: i32) -> (i32, i32) {
    %c0_i32 = arith.constant 0 : i32
    %c0_i32_0 = arith.constant 0 : i32
    return %arg0, %c0_i32 : i32, i32
  }
}

</mosaic_0001>

<sc_bundles>
// kernel: kernel.6.cloned.1.call-start
scs
__scs_entry_jumppad:
0x0: {  	(pc) =	sbr.rel $0x88, $3  }
0x1: {  	(tag) =	ssettag $0x0;
	lr =	simm.s32 $0x1  }
0x2: {  	[smem:$0x3F97] =	sst lr;
	_ =	strace $0xD0000000  }
0x3: {  	_ = 	snop  }
0x4: {  	_ = 	snop  }
0x5: {  	_ = 	snop  }
0x6: {  	_ = 	snop  }
0x7: {  	_ = 	snop  }
__scs_overlays_trampoline_lowered:
0x8: {  	[smem:$0x3FA6] =	sst s0  }
0x9: {  	[smem:$0x3FA7] =	sst s1  }
0xa: {  	[smem:$0x3FA8] =	sst s2  }
0xb: {  	[smem:$0x3FA9] =	sst s3  }
0xc: {  	[smem:$0x3FAA] =	sst s4  }
0xd: {  	[smem:$0x3FAB] =	sst s5  }
0xe: {  	[smem:$0x3FAC] =	sst s6  }
0xf: {  	[smem:$0x3FAD] =	sst s7  }
0x10: {  	[smem:$0x3FAE] =	sst s8  }
0x11: {  	[smem:$0x3FAF] =	sst s9;
	s0 =	simm.s32 @!p0 $0x0  }
0x12: {  	s1 =	sld [smem:$0x3F95];
	s0 =	simm.s32 @p0 $0x1  }
0x13: {  	[smem:$0x3FB0] =	sst s0;
	s0 =	simm.s32 @!p1 $0x0  }
0x14: {  	s2 =	sld [smem:$0x3F94];
	s0 =	simm.s32 @p1 $0x1  }
0x15: {  	[smem:$0x3FB1] =	sst s0;
	s0 =	simm.s32 @!p2 $0x0  }
0x16: {  	s3 =	sld [smem:$0x3FDB];
	s0 =	simm.s32 @p2 $0x1  }
0x17: {  	s4 =	simm.s32 $0x1BF5;
	[smem:$0x3FB3] =	sst s0  }
0x18: {  	s0 =	sld [smem:$0x3F96];
	_ =	swait.ge [sflag:s4], $0x0  }
0x19: {  	s7 =	sld [smem:$0x3F97]  }
0x1a: {  	s8 =	sadd.s32 $0xFFFFE003, lr  }
0x1b: {  	s9 =	sadd.s32 $0xFFFFFEF7, lr;
	s5 =	simm.s32 $0xFFFFFFFF;
	p2 =	slt.u32 s8, $0xFFFFF086  }
0x1c: {  	p1 =	slt.u32 s9, $0xF7A;
	s5 =	simm.s32 @!p2 $0x0  }
0x1d: {  	s5 =	simm.s32 @p1 $0x1;
	p0 =	seq.s32 s7, s2  }
0x1e: {  	s7 =	smul.u32 @!p0 $0xF7A, s2;
	p2 =	seq.s32 @!p0 s5, $0x0  }
0x1f: {  	s9 =	smul.u32 $0xF7A, s1;
	s8 =	simm.s32 @!p0 $0x1BF5;
	p2 =	por !p2, p0  }
0x20: {  	[sflag:s8] =	ssyncset.s32 @!p0 $0xFFFFF086;
	s6 =	sadd.s32 @!p0 s3, s7;
	s7 =	simm.s32 @!p0 $0x108  }
0x21: {  	s3 =	sadd.s32 s3, s9;
	s6 =	sadd.s32 @!p0 $0x88, s6;
	s7 =	simm.s32 @p2 $0x1082  }
0x22: {  	[simem:s7], [sflag:s8] =	dma.local @!p0 [hbm:s6], $0xF7A  }
0x23: {  	s9 =	sor.u32 $0xD0000000, s2;
	s6 =	simm.s32 $0x108;
	_ =	swait.ge @!p0 [sflag:s8], $0x0  }
0x24: {  	s3 =	sadd.s32 $0x88, s3;
	s6 =	simm.s32 @!p1 $0x1082;
	[sflag:s4] =	ssyncset.s32 $0xFFFFF086  }
0x25: {  	[simem:s6], [sflag:s4] =	dma.local [hbm:s3], $0xF7A  }
0x26: {  	[smem:$0x3F97] =	sst s1;
	(tag) =	ssettag s2;
	_ =	strace s9  }
0x27: {  	s1 =	sld [smem:$0x3FA7]  }
0x28: {  	s2 =	sld [smem:$0x3FA8]  }
0x29: {  	s4 =	sld [smem:$0x3FAA]  }
0x2a: {  	p0 =	seq.s32 s5, $0x0;
	s5 =	sld [smem:$0x3FAB]  }
0x2b: {  	s6 =	sld [smem:$0x3FAC]  }
0x2c: {  	s7 =	sld [smem:$0x3FAD]  }
0x2d: {  	s3 =	simm.s32 $0x108;
	s8 =	sld [smem:$0x3FAE]  }
0x2e: {  	s3 =	simm.s32 @!p0 $0x1082;
	s9 =	sld [smem:$0x3FAF]  }
0x2f: {  	lr =	sadd.s32 s0, s3;
	s0 =	sld [smem:$0x3FA6]  }
0x30: {  	s3 =	sld [smem:$0x3FA9]  }
0x31: {  	[smem:$0x3FB2] =	sst s10  }
0x32: {  	s10 =	sld [smem:$0x3FB0];
	_ =	sdelay $0x3  }
0x33: {  	p0 =	seq.s32 s10, $0x1;
	s10 =	sld [smem:$0x3FB2];
	_ =	sdelay $0x3  }
0x34: {  	[smem:$0x3FB2] =	sst s10  }
0x35: {  	s10 =	sld [smem:$0x3FB1];
	_ =	sdelay $0x3  }
0x36: {  	p1 =	seq.s32 s10, $0x1;
	s10 =	sld [smem:$0x3FB2];
	_ =	sdelay $0x3  }
0x37: {  	[smem:$0x3FB2] =	sst s10  }
0x38: {  	s10 =	sld [smem:$0x3FB3]  }
0x39: {  	_ = 	snop;
	(pc) =	sbr.ind lr, $3  }
0x3a: {  	_ = 	snop  }
0x3b: {  	_ = 	snop  }
0x3c: {  	p2 =	seq.s32 s10, $0x1;
	s10 =	sld [smem:$0x3FB2]  }
0x3d: {  	_ =	shalt  }
0x3e: {  	_ =	shalt  }
0x3f: {  	_ =	shalt  }
0x40: {  	_ =	shalt  }
0x41: {  	_ =	shalt  }
0x42: {  	_ =	shalt  }
0x43: {  	_ =	shalt  }
0x44: {  	_ =	shalt  }
0x45: {  	_ =	shalt  }
0x46: {  	_ =	shalt  }
0x47: {  	_ =	shalt  }
0x48: {  	_ =	shalt  }
0x49: {  	_ =	shalt  }
0x4a: {  	_ =	shalt  }
0x4b: {  	_ =	shalt  }
0x4c: {  	_ =	shalt  }
0x4d: {  	_ =	shalt  }
0x4e: {  	_ =	shalt  }
0x4f: {  	_ =	shalt  }
0x50: {  	_ =	shalt  }
0x51: {  	_ =	shalt  }
0x52: {  	_ =	shalt  }
0x53: {  	_ =	shalt  }
0x54: {  	_ =	shalt  }
0x55: {  	_ =	shalt  }
0x56: {  	_ =	shalt  }
0x57: {  	_ =	shalt  }
0x58: {  	_ =	shalt  }
0x59: {  	_ =	shalt  }
0x5a: {  	_ =	shalt  }
0x5b: {  	_ =	shalt  }
0x5c: {  	_ =	shalt  }
0x5d: {  	_ =	shalt  }
0x5e: {  	_ =	shalt  }
0x5f: {  	_ =	shalt  }
0x60: {  	_ =	shalt  }
0x61: {  	_ =	shalt  }
0x62: {  	_ =	shalt  }
0x63: {  	_ =	shalt  }
0x64: {  	_ =	shalt  }
0x65: {  	_ =	shalt  }
0x66: {  	_ =	shalt  }
0x67: {  	_ =	shalt  }
0x68: {  	_ =	shalt  }
0x69: {  	_ =	shalt  }
0x6a: {  	_ =	shalt  }
0x6b: {  	_ =	shalt  }
0x6c: {  	_ =	shalt  }
0x6d: {  	_ =	shalt  }
0x6e: {  	_ =	shalt  }
0x6f: {  	_ =	shalt  }
0x70: {  	_ =	shalt  }
0x71: {  	_ =	shalt  }
0x72: {  	_ =	shalt  }
0x73: {  	_ =	shalt  }
0x74: {  	_ =	shalt  }
0x75: {  	_ =	shalt  }
0x76: {  	_ =	shalt  }
0x77: {  	_ =	shalt  }
0x78: {  	_ =	shalt  }
0x79: {  	_ =	shalt  }
0x7a: {  	_ =	shalt  }
0x7b: {  	_ =	shalt  }
0x7c: {  	_ =	shalt  }
0x7d: {  	_ =	shalt  }
0x7e: {  	_ =	shalt  }
0x7f: {  	_ =	shalt  }
0x80: {  	_ =	shalt  }
0x81: {  	_ =	shalt  }
0x82: {  	_ =	shalt  }
0x83: {  	_ =	shalt  }
0x84: {  	_ =	shalt  }
0x85: {  	_ =	shalt  }
0x86: {  	_ =	shalt  }
0x87: {  	_ =	shalt  }
.Lfunc_end0:
.L_simem_size_0:
called_computation_lowered:
.L_overlay_start_0:
0x88: {  	s2 =	sld [smem:$0x3FD9]  }
0x89: {  	s3 =	sld [smem:$0x3FFE];
	_ =	sdelay $0x1  }
0x8a: {  	s1 =	srdreg.scid  }
0x8b: {  	s0 =	sand.u32 $0x1, s1  }
0x8c: {  	s17 =	sshll.u32 s0, $0xA;
	s2 =	sadd.s32 s3, s2  }
0x8d: {  	s2 =	sadd.s32 s2, s17  }
0x8e: {  	[smem:$0x3FBE] =	sst s2  }
0x8f: {  	_ = 	snop  }
0x90: {  	s2 =	sld [smem:$0x3FD0];
	(tm) =	ssettm $0x1  }
0x91: {  	s18 =	sld [smem:$0x3FFB];
	_ =	sdelay $0x3  }
0x92: {  	_ =	strace s18  }
0x93: {  	s3 =	sld [smem:$0x3FFC];
	_ =	sdelay $0x3  }
0x94: {  	_ =	strace s3  }
0x95: {  	s3 =	sld [smem:$0x3FFD];
	_ =	sdelay $0x3  }
0x96: {  	_ =	strace s3  }
0x97: {  	_ =	strace $0x8FFFFFFF  }
0x98: {  	s19 =	sld [smem:$0x3FDB];
	_ =	sdelay $0x1  }
0x99: {  	s4 =	simm.s32 $_scs_section_size  }
0x9a: {  	s5 =	simm.s32 $_size__tile_overlayer_lowered;
	s6 =	simm.s32 $_tile_overlayer_lowered  }
0x9b: {  	s22 =	simm.s32 $0x1BFF;
	s21 =	sshll.u32 s6, $0x1;
	s3 =	sadd.s32 s4, s19  }
0x9c: {  	s7 =	simm.s32 $0x0;
	s20 =	sshll.u32 s5, $0x1;
	s5 =	sadd.s32 s21, s3  }
0x9d: {  	[timem:s7], [sflag:s22] =	dma.local [hbm:s5], s20  }
0x9e: {  	_ =	swait.ge [sflag:s22], s20  }
0x9f: {  	s4 =	ssub.s32 $0x0, s20;
	[sflag:s22] =	ssyncset.done $0x0  }
0xa0: {  	[sflag:s22] =	ssyncadd.s32 s4;
	_ =	sdelay $0x1  }
0xa1: {  	s23 =	simm.s32 $0x1B8B  }
0xa2: {  	_ =	swait.ge [sflag:s23], $0x1  }
0xa3: {  	[sflag:s23] =	ssyncset.done $0x0  }
0xa4: {  	s25 =	simm.s32 $0x1B8E;
	s24 =	sld [smem:$0x3FFE];
	[sflag:s23] =	ssyncadd.s32 $0xFFFFFFFF  }
0xa5: {  	s26 =	simm.s32 $execute0_lowered;
	[smem:$0x3FD2] =	sst s25  }
0xa6: {  	s5 =	sshll.u32 s26, $0x1;
	_ =	strace $0x80000046;
	[dreg:$0x1] =	wrdreg $0xFFFFFFFF  }
0xa7: {  	s28 =	simm.s32 $_size_execute0_lowered;
	s3 =	sadd.s32 s3, s5;
	[dreg:$0x0] =	wrdreg $0x0  }
0xa8: {  	s5 =	sshll.u32 s28, $0x1;
	[dreg:$0x2] =	wrdreg s3  }
0xa9: {  	[dreg:$0x3] =	wrdreg s5  }
0xaa: {  	[dreg:$0x4] =	wrdreg $0xC0  }
0xab: {  	_ =	task [dreg:s7], $0x5FFFF  }
0xac: {  	[dreg:$0x1] =	wrdreg $0xFFFFFFFF  }
0xad: {  	[dreg:$0x0] =	wrdreg $0x60  }
0xae: {  	[dreg:$0x2] =	wrdreg s24  }
0xaf: {  	[dreg:$0x3] =	wrdreg s2  }
0xb0: {  	[dreg:$0x4] =	wrdreg $0x9  }
0xb1: {  	_ =	task.clear_ibuf [dreg:s7], $0x5FFFF;
	_ =	strace $0x90000046  }
0xb2: {  	s29 =	simm.s32 $0x9;
	_ =	strace $0x80000048  }
0xb3: {  	_ =	swait.ge [sflag:s29], $0x1  }
0xb4: {  	[sflag:s29] =	ssyncadd.s32 $0xFFFFFFFF  }
0xb5: {  	_ =	strace $0x90000048  }
0xb6: {  	_ =	sfence  }
0xb7: {  	s30 =	sld [smem:$0x0];
	_ =	sdelay $0x2  }
0xb8: {  	s31 =	sshll.u32 s1, $0xD;
	s1 =	sshrl.u32 s1, $0x2  }
0xb9: {  	s3 =	sand.u32 $0x4000, s31;
	s1 =	sadd.s32 s1, s30  }
0xba: {  	s0 =	sor.u32 s3, s0;
	s1 =	sshll.u32 s1, $0x11  }
0xbb: {  	s0 =	sor.u32 s1, s0  }
0xbc: {  	s0 =	sadd.s32 $0x8F2B, s0  }
0xbd: {  	[sflag:s0] =	ssyncadd.remote.s32 $0x1  }
0xbe: {  	_ =	sfence.sel $0xFFFF  }
0xbf: {  	[dreg:$0x0] =	wrdreg $0xFFFFFFFF;
	(pc) =	sbr.abs _section_cstart, $3  }
0xc0: {  	[dreg:$0x1] =	wrdreg $0xFFFFFFFF  }
0xc1: {  	_ =	task.clear_ibuf [dreg:s7], $0x2FFFF;
	_ =	strace $0x9FFFFFFF  }
0xc2: {  	(tm) =	ssettm $0x7FFFFFFF  }
0xc3: {  	_ =	shalt  }
tec
execute0_lowered:
.L_overlay_start_1:
0x0: {  	(tag) =	ssettag $0x1  }
0x1: {  	s6 =	rddreg [dreg:$0x0]  }
0x2: {  	s0 =	srdreg.scid;
	s7 =	rddreg [dreg:$0x1]  }
0x3: {  	s1 =	stileid.u32;
	s2 =	simm.s32 $0x0;
	s3 =	sand.u32 $0x1, s0  }
0x4: {  	v3 =	vlaneseq.u32;
	s10 =	simm.s32 $0x500;
	s11 =	simm.s32 $0x780;
	s4 =	sshll.u32 s3, $0x4  }
0x5: {  	s12 =	simm.s32 $0xA00;
	s14 =	simm.s32 $0x2;
	v4 =	vmul.u32 $0x7D1, v3;
	s4 =	sor.u32 s1, s4  }
0x6: {  	s15 =	simm.s32 $0x3;
	s16 =	simm.s32 $0x4;
	v2 =	vor.u32 $0x10, v3;
	s13 =	sshll.u32 s4, $0x6  }
0x7: {  	s17 =	simm.s32 $0x5;
	s18 =	simm.s32 $0x0;
	s0 =	rddreg [dreg:$0x2];
	v8 =	vor.u32 $0x30, v3;
	v5 =	vadd.s32 $0x7D10, v4;
	v0 =	vmov s13  }
.Ltmp0:
0x8: {  	[smem:$0x7FF] =	sst s2;
	s5 =	ssub.s32 $0x2, s3;
	v6 =	vor.u32 s13, v2;
	v2 =	vadd.s32 s13, v5;
	v5 =	vor.u32 $0x20, v3;
	(pc) =	sbr.rel .LBB2_1-.Ltmp0, $4  }
0x9: {  	_ =	strace $0x80000047;
	s3 =	sadd.s32 $0x2000, s6;
	s8 =	sshrl.u32 s5, $0x1;
	v1 =	vadd.s32 s13, v4;
	v8 =	vor.u32 s13, v8;
	v7 =	vor.u32 s13, v5  }
0xa: {  	s8 =	ssub.s32 s5, s8;
	s9 =	smul.u32 $0x3E80, s4;
	s4 =	sadd.s32 $0x2050, s6;
	v5 =	vadd.s32 $0xFA20, v4;
	v4 =	vadd.s32 $0x17730, v4;
	vm0 =	vlt.u32 v8, $0x7D0  }
0xb: {  	s5 =	sadd.s32 $0x20A0, s6;
	s6 =	sadd.s32 $0x20F0, s6;
	s8 =	smax.u32 s8, $0x1;
	vm2 =	vlt.u32 v6, $0x7D0;
	v6 =	vimm.f32 $1.000000000e+00;
	v3 =	vadd.s32 s13, v5  }
0xc: {  	s7 =	sadd.s32 s7, s9;
	s9 =	simm.s32 $0x280;
	v4 =	vadd.s32 s13, v4;
	v5 =	vimm.f32 $0.0e+00;
	s13 =	simm.s32 $0x1;
	vm1 =	vlt.u32 v7, $0x7D0  }
.LBB2_14:
0xd: {  	s18 =	sadd.s32 $0x1, s18  }
0xe: {  	p0 =	sne.s32 s18, s8  }
.Ltmp1:
0xf: {  	_ = 	snop;
	(pc) =	sbr.rel @!p0 .LBB2_15-.Ltmp1, $4  }
0x10: {  	[hbm4b:s7+s2] =	stream.linear.scatter [tilespmem:s12], [sflag:$0x5], $0x1F400, $0x38;
	[tilespmem:$0x1FE00] =	vst v63  }
0x11: {  	_ =	swait.ge [sflag:s17], $0x1F400  }
0x12: {  	[sflag:s17] =	ssyncset.done $0x0  }
0x13: {  	[sflag:s17] =	ssyncadd.s32 $0xFFFE0C00  }
.LBB2_1:
0x14: {  	[tilespmem:s2], [sflag:$0x1] =	stream.linear.gather [hbm4b:s3+s2], $0x280, $0x38;
	[tilespmem:$0x1FE00] =	vst v63  }
0x15: {  	_ = 	snop  }
0x16: {  	[tilespmem:s9], [sflag:$0x2] =	stream.linear.gather [hbm4b:s4+s2], $0x280, $0x38;
	[tilespmem:$0x1FE00] =	vst v63  }
0x17: {  	_ = 	snop  }
0x18: {  	[tilespmem:s10], [sflag:$0x3] =	stream.linear.gather [hbm4b:s5+s2], $0x280, $0x38;
	[tilespmem:$0x1FE00] =	vst v63  }
0x19: {  	s19 =	simm.s32 $0x0;
	s20 =	simm.s32 $0x200  }
0x1a: {  	[tilespmem:s11], [sflag:$0x4] =	stream.linear.gather [hbm4b:s6+s2], $0x280, $0x38;
	[tilespmem:$0x1FE00] =	vst v63  }
.LBB2_2:
0x1b: {  	p0 =	sne.s32 s20, $0x7CE00;
	[tilespmem:s19+$0xA70] =	vst v5  }
0x1c: {  	[tilespmem:s19+$0xA00] =	vst v5  }
0x1d: {  	[tilespmem:s19+$0xA10] =	vst v5  }
.Ltmp2:
0x1e: {  	[tilespmem:s19+$0xA20] =	vst v5;
	(pc) =	sbr.rel @p0 .LBB2_2-.Ltmp2, $4  }
0x1f: {  	[tilespmem:s19+$0xA30] =	vst v5  }
0x20: {  	[tilespmem:s19+$0xA40] =	vst v5  }
0x21: {  	[tilespmem:s19+$0xA50] =	vst v5  }
0x22: {  	[tilespmem:s19+$0xA60] =	vst v5;
	s19 =	sshra.s32 s20, $0x2;
	s20 =	sadd.s32 $0x200, s20  }
0x23: {  	[tilespmem:s19+$0xA70] =	vst v5  }
0x24: {  	[tilespmem:s19+$0xA00] =	vst v5  }
0x25: {  	[tilespmem:s19+$0xA10] =	vst v5  }
0x26: {  	[tilespmem:s19+$0xA20] =	vst v5  }
0x27: {  	[tilespmem:s19+$0xA30] =	vst v5  }
0x28: {  	[tilespmem:s19+$0xA40] =	vst v5  }
0x29: {  	[tilespmem:s19+$0xA50] =	vst v5  }
0x2a: {  	[tilespmem:s19+$0xA60] =	vst v5  }
0x2b: {  	[tilespmem:v1+s12+$0x0] =	vst.idx.add.f32.msk $0xffff, v6  }
0x2c: {  	[tilespmem:v2+s12+$0x0] =	vst.idx.add.f32.msk vm2, v6  }
0x2d: {  	[tilespmem:v3+s12+$0x0] =	vst.idx.add.f32.msk vm1, v6  }
0x2e: {  	s19 =	simm.s32 $0x0;
	[tilespmem:v4+s12+$0x0] =	vst.idx.add.f32.msk vm0, v6  }
.LBB2_4:
0x2f: {  	_ =	swait.ge [sflag:s13], $0x280  }
0x30: {  	[sflag:s13] =	ssyncset.done $0x0  }
0x31: {  	s21 =	simm.s32 $0x0;
	s20 =	simm.s32 $0x40;
	[sflag:s13] =	ssyncadd.s32 $0xFFFFFD80  }
.LBB2_5:
0x32: {  	p0 =	sne.s32 s20, $0x4C0;
	v7 =	vld [tilespmem:s21+$0x140];
	_ =	sdelay $0x2  }
0x33: {  	v8 =	vld [tilespmem:s21+$0x0];
	_ =	sdelay $0x1  }
0x34: {  	v7 =	vsub.s32 v7, v0  }
0x35: {  	v9 =	vmul.u32 $0x7D0, v7  }
0x36: {  	vm3 =	vlt.u32 v7, $0x40  }
0x37: {  	v7 =	vadd.s32 v8, v9  }
.Ltmp3:
0x38: {  	(pc) =	sbr.rel @p0 .LBB2_5-.Ltmp3, $2  }
0x39: {  	_ =	sdelay $0x2  }
0x3a: {  	s21 =	sshra.s32 s20, $0x2;
	s20 =	sadd.s32 $0x40, s20;
	[tilespmem:v7+s12+$0x0] =	vst.idx.add.f32.msk vm3, v6  }
0x3b: {  	v7 =	vld [tilespmem:s21+$0x140];
	_ =	sdelay $0x2  }
0x3c: {  	v8 =	vld [tilespmem:s21+$0x0];
	_ =	sdelay $0x1  }
0x3d: {  	v7 =	vsub.s32 v7, v0  }
0x3e: {  	v9 =	vmul.u32 $0x7D0, v7  }
0x3f: {  	vm3 =	vlt.u32 v7, $0x40  }
0x40: {  	p0 =	seq.s32 s19, $0x18;
	v7 =	vadd.s32 v8, v9  }
0x41: {  	s20 =	smul.u32 @!p0 $0xA00, s19;
	_ =	sdelay $0x1  }
0x42: {  	s20 =	sshrl.u32 @!p0 s20, $0x3  }
0x43: {  	s20 =	sadd.s32 @!p0 s3, s20  }
0x44: {  	s22 =	simm.s32 @!p0 $0x0;
	s21 =	sadd.s32 @!p0 $0x140, s20;
	[tilespmem:v7+s12+$0x0] =	vst.idx.add.f32.msk vm3, v6  }
0x45: {  	[tilespmem:s22], [sflag:$0x1] =	stream.linear.gather @!p0 [hbm4b:s21+s22], $0x280, $0x38;
	[tilespmem:$0x1FE00] =	vst v63  }
0x46: {  	_ =	swait.ge [sflag:s14], $0x280  }
0x47: {  	[sflag:s14] =	ssyncset.done $0x0  }
0x48: {  	s22 =	simm.s32 $0x0;
	s21 =	simm.s32 $0x40;
	[sflag:s14] =	ssyncadd.s32 $0xFFFFFD80  }
.LBB2_7:
0x49: {  	p1 =	sne.s32 s21, $0x4C0;
	v7 =	vld [tilespmem:s22+$0x3C0];
	_ =	sdelay $0x2  }
0x4a: {  	v8 =	vld [tilespmem:s22+$0x280];
	_ =	sdelay $0x1  }
0x4b: {  	v7 =	vsub.s32 v7, v0  }
0x4c: {  	v9 =	vmul.u32 $0x7D0, v7  }
0x4d: {  	vm3 =	vlt.u32 v7, $0x40  }
0x4e: {  	v7 =	vadd.s32 v8, v9  }
.Ltmp4:
0x4f: {  	(pc) =	sbr.rel @p1 .LBB2_7-.Ltmp4, $2  }
0x50: {  	_ =	sdelay $0x2  }
0x51: {  	s22 =	sshra.s32 s21, $0x2;
	s21 =	sadd.s32 $0x40, s21;
	[tilespmem:v7+s12+$0x0] =	vst.idx.add.f32.msk vm3, v6  }
0x52: {  	v7 =	vld [tilespmem:s22+$0x3C0];
	_ =	sdelay $0x2  }
0x53: {  	v8 =	vld [tilespmem:s22+$0x280];
	_ =	sdelay $0x1  }
0x54: {  	v7 =	vsub.s32 v7, v0  }
0x55: {  	v9 =	vmul.u32 $0x7D0, v7  }
0x56: {  	vm3 =	vlt.u32 v7, $0x40  }
0x57: {  	v7 =	vadd.s32 v8, v9;
	_ =	sdelay $0x4  }
0x58: {  	s21 =	sadd.s32 @!p0 $0x190, s20;
	s22 =	simm.s32 @!p0 $0x0;
	s23 =	simm.s32 @!p0 $0x280;
	[tilespmem:v7+s12+$0x0] =	vst.idx.add.f32.msk vm3, v6  }
0x59: {  	[tilespmem:s23], [sflag:$0x2] =	stream.linear.gather @!p0 [hbm4b:s21+s22], $0x280, $0x38;
	[tilespmem:$0x1FE00] =	vst v63  }
0x5a: {  	_ =	swait.ge [sflag:s15], $0x280  }
0x5b: {  	[sflag:s15] =	ssyncset.done $0x0  }
0x5c: {  	s22 =	simm.s32 $0x0;
	s21 =	simm.s32 $0x40;
	[sflag:s15] =	ssyncadd.s32 $0xFFFFFD80  }
.LBB2_9:
0x5d: {  	p1 =	sne.s32 s21, $0x4C0;
	v7 =	vld [tilespmem:s22+$0x640];
	_ =	sdelay $0x2  }
0x5e: {  	v8 =	vld [tilespmem:s22+$0x500];
	_ =	sdelay $0x1  }
0x5f: {  	v7 =	vsub.s32 v7, v0  }
0x60: {  	v9 =	vmul.u32 $0x7D0, v7  }
0x61: {  	vm3 =	vlt.u32 v7, $0x40  }
0x62: {  	v7 =	vadd.s32 v8, v9  }
.Ltmp5:
0x63: {  	(pc) =	sbr.rel @p1 .LBB2_9-.Ltmp5, $2  }
0x64: {  	_ =	sdelay $0x2  }
0x65: {  	s22 =	sshra.s32 s21, $0x2;
	s21 =	sadd.s32 $0x40, s21;
	[tilespmem:v7+s12+$0x0] =	vst.idx.add.f32.msk vm3, v6  }
0x66: {  	v7 =	vld [tilespmem:s22+$0x640];
	_ =	sdelay $0x2  }
0x67: {  	v8 =	vld [tilespmem:s22+$0x500];
	_ =	sdelay $0x1  }
0x68: {  	v7 =	vsub.s32 v7, v0  }
0x69: {  	v9 =	vmul.u32 $0x7D0, v7  }
0x6a: {  	vm3 =	vlt.u32 v7, $0x40  }
0x6b: {  	v7 =	vadd.s32 v8, v9;
	_ =	sdelay $0x4  }
0x6c: {  	s20 =	sadd.s32 @!p0 $0x1E0, s20;
	s21 =	simm.s32 @!p0 $0x0;
	s22 =	simm.s32 @!p0 $0x500;
	[tilespmem:v7+s12+$0x0] =	vst.idx.add.f32.msk vm3, v6  }
0x6d: {  	[tilespmem:s22], [sflag:$0x3] =	stream.linear.gather @!p0 [hbm4b:s20+s21], $0x280, $0x38;
	[tilespmem:$0x1FE00] =	vst v63  }
0x6e: {  	_ =	swait.ge [sflag:s16], $0x280  }
0x6f: {  	[sflag:s16] =	ssyncset.done $0x0  }
0x70: {  	s21 =	simm.s32 $0x0;
	s20 =	simm.s32 $0x40;
	[sflag:s16] =	ssyncadd.s32 $0xFFFFFD80  }
.LBB2_11:
0x71: {  	p1 =	sne.s32 s20, $0x4C0;
	v7 =	vld [tilespmem:s21+$0x8C0];
	_ =	sdelay $0x2  }
0x72: {  	v8 =	vld [tilespmem:s21+$0x780];
	_ =	sdelay $0x1  }
0x73: {  	v7 =	vsub.s32 v7, v0  }
0x74: {  	v9 =	vmul.u32 $0x7D0, v7  }
0x75: {  	vm3 =	vlt.u32 v7, $0x40  }
0x76: {  	v7 =	vadd.s32 v8, v9  }
.Ltmp6:
0x77: {  	(pc) =	sbr.rel @p1 .LBB2_11-.Ltmp6, $2  }
0x78: {  	_ =	sdelay $0x2  }
0x79: {  	s21 =	sshra.s32 s20, $0x2;
	s20 =	sadd.s32 $0x40, s20;
	[tilespmem:v7+s12+$0x0] =	vst.idx.add.f32.msk vm3, v6  }
0x7a: {  	v7 =	vld [tilespmem:s21+$0x8C0];
	_ =	sdelay $0x2  }
0x7b: {  	v8 =	vld [tilespmem:s21+$0x780];
	_ =	sdelay $0x1  }
0x7c: {  	v7 =	vsub.s32 v7, v0  }
0x7d: {  	v9 =	vmul.u32 $0x7D0, v7  }
0x7e: {  	vm3 =	vlt.u32 v7, $0x40  }
0x7f: {  	v7 =	vadd.s32 v8, v9  }
.Ltmp7:
0x80: {  	_ = 	snop;
	(pc) =	sbr.rel @p0 .LBB2_14-.Ltmp7, $2  }
0x81: {  	_ =	sdelay $0x2  }
0x82: {  	[tilespmem:v7+s12+$0x0] =	vst.idx.add.f32.msk vm3, v6  }
0x83: {  	s20 =	smul.u32 $0xA00, s19  }
.Ltmp8:
0x84: {  	_ = 	snop;
	(pc) =	sbr.rel .LBB2_4-.Ltmp8, $4  }
0x85: {  	s20 =	sshrl.u32 s20, $0x3  }
0x86: {  	s20 =	sadd.s32 s3, s20  }
0x87: {  	s19 =	sadd.s32 $0x1, s19;
	s20 =	sadd.s32 $0x230, s20  }
0x88: {  	[tilespmem:s11], [sflag:$0x4] =	stream.linear.gather [hbm4b:s20+s2], $0x280, $0x38;
	[tilespmem:$0x1FE00] =	vst v63  }
.LBB2_15:
0x89: {  	_ =	sfence.sel $0x180000  }
0x8a: {  	[bflag:$0x0] =	sbarrier.arrive $0xFFFF  }
0x8b: {  	p0 =	sne.s32 s1, $0x0;
	_ =	strace $0x90000047  }
0x8c: {  	s0 =	sadd.s32 @!p0 $0x100000, s0;
	[bflag:$0x2] =	sbarrier.arrive $0xFFFF  }
0x8d: {  	[sflag:s0] =	ssyncadd.tile.s32 @!p0 $0x1;
	_ =	shalt  }
.Lfunc_end2:
_tile_overlayer_lowered:
.L_overlay_start_2:
0x8e: {  	(tag) =	ssettag $0x2  }
0x8f: {  	s0 =	rddreg [dreg:$0x0];
	s2 =	stileid.u32  }
0x90: {  	s1 =	rddreg [dreg:$0x1];
	p0 =	sne.s32 s2, $0x0  }
0x91: {  	s3 =	rddreg [dreg:$0x2];
	[bflag:$0x3] =	sbarrier.arrive $0xFFFF;
	s2 =	simm.s32 @!p0 $0x1C05  }
0x92: {  	[timem:s3], [sflag:s2] =	dma.local @!p0 [hbm:s0], s1  }
0x93: {  	s0 =	simm.s32 @!p0 $0x5  }
0x94: {  	_ =	swait.ge @!p0 [sflag:s0], s1  }
0x95: {  	s1 =	ssub.s32 @!p0 $0x0, s1;
	[sflag:s0] =	ssyncset.done @!p0 $0x0  }
0x96: {  	[sflag:s0] =	ssyncadd.s32 @!p0 s1  }
0x97: {  	[bflag:$0x3] =	sbarrier.arrive $0xFFFF  }
0x98: {  	_ =	shalt  }

</sc_bundles>
